<compile_context>
chip_gen: v7x
topology: tpu7x:2x2x1
jax: 0.10.2.dev20260603
libtpu: 0.0.44.dev20260713+nightly
codegen_flags: <defaults>
</compile_context>

<pallas_src>
import functools

import jax
import jax.numpy as jnp
from jax import lax
from jax.experimental import pallas as pl
from jax.experimental.pallas import tpu as pltpu
from jax.experimental.pallas import tpu_sc as plsc

_TC_CHUNKS = 4
_SC_CH = 32


def _tc_make_body(b, n, d, n_chunks):
    rows = n // n_chunks

    def body(pe_hbm, out_hbm, vmem, in_sems, out_sems):
        for c in range(n_chunks):
            sl = pl.ds(c * rows, rows)
            pltpu.make_async_copy(pe_hbm.at[sl], vmem.at[sl], in_sems.at[c]).start()
        for c in range(n_chunks):
            sl = pl.ds(c * rows, rows)
            pltpu.make_async_copy(pe_hbm.at[sl], vmem.at[sl], in_sems.at[c]).wait()
            for i in range(b):
                pltpu.make_async_copy(
                    vmem.at[sl], out_hbm.at[i, sl], out_sems.at[c, i]
                ).start()
        for c in range(n_chunks):
            sl = pl.ds(c * rows, rows)
            for i in range(b):
                pltpu.make_async_copy(
                    vmem.at[sl], out_hbm.at[i, sl], out_sems.at[c, i]
                ).wait()

    return body


def _tc_call(pe_weight, b, n, d):
    return pl.pallas_call(
        _tc_make_body(b, n, d, _TC_CHUNKS),
        in_specs=[pl.BlockSpec(memory_space=pl.ANY)],
        out_specs=pl.BlockSpec(memory_space=pl.ANY),
        out_shape=jax.ShapeDtypeStruct((b, n, d), pe_weight.dtype),
        scratch_shapes=[
            pltpu.VMEM((n, d), pe_weight.dtype),
            pltpu.SemaphoreType.DMA((_TC_CHUNKS,)),
            pltpu.SemaphoreType.DMA((_TC_CHUNKS, b)),
        ],
    )(pe_weight)


def _sc_call(pe_weight, n, d):
    dtype = pe_weight.dtype
    mesh = plsc.VectorSubcoreMesh(core_axis_name="c", subcore_axis_name="s")
    nw = mesh.num_cores * mesh.num_subcores
    rows_w = n // nw
    nch = rows_w // _SC_CH

    @functools.partial(
        pl.kernel,
        out_type=jax.ShapeDtypeStruct((1, n, d), dtype),
        mesh=mesh,
        scratch_types=[
            pltpu.VMEM((2, _SC_CH, d), dtype),
            pltpu.SemaphoreType.DMA((nch,)),
            pltpu.SemaphoreType.DMA((nch,)),
        ],
    )
    def sc_copy(pe_hbm, out_hbm, bufs, in_sems, out_sems):
        wid = lax.axis_index("s") * mesh.num_cores + lax.axis_index("c")
        base = wid * rows_w

        def sl(c):
            return pl.ds(base + c * _SC_CH, _SC_CH)

        pltpu.make_async_copy(pe_hbm.at[sl(0)], bufs.at[0], in_sems.at[0]).start()
        if nch > 1:
            pltpu.make_async_copy(pe_hbm.at[sl(1)], bufs.at[1], in_sems.at[1]).start()
        for c in range(nch):
            buf = bufs.at[c % 2]
            pltpu.make_async_copy(pe_hbm.at[sl(c)], buf, in_sems.at[c]).wait()
            pltpu.make_async_copy(buf, out_hbm.at[0, sl(c)], out_sems.at[c]).start()
            if c + 2 < nch:
                pltpu.make_async_copy(
                    bufs.at[c % 2], out_hbm.at[0, sl(c)], out_sems.at[c]
                ).wait()
                pltpu.make_async_copy(
                    pe_hbm.at[sl(c + 2)], bufs.at[c % 2], in_sems.at[c + 2]
                ).start()
        for c in range(max(0, nch - 2), nch):
            pltpu.make_async_copy(
                bufs.at[c % 2], out_hbm.at[0, sl(c)], out_sems.at[c]
            ).wait()

    return sc_copy(pe_weight)


def kernel(x, pe_weight):
    b = x.shape[0]
    n, d = pe_weight.shape
    tc_part = _tc_call(pe_weight, b - 1, n, d)
    sc_part = _sc_call(pe_weight, n, d)
    return jnp.concatenate([tc_part, sc_part], axis=0)

# --- scband reference (transcript-rebuilt; emitter-appended) ---
"""Pipeline reference for scband-positional-44092134261080 (READ-ONLY COPY).

The authoritative reference and input builder live on the scoring server;
editing this copy changes nothing except your own understanding.
"""

import jax, jax.numpy as jnp
import numpy as np

IN_SIZE = 4096
D_MODEL = 1024
BATCH = 4

def setup_inputs(seed: int = 0) -> dict:
    key = jax.random.key(seed)
    kx, kw = jax.random.split(key)
    x = jax.random.normal(kx, (BATCH, IN_SIZE, D_MODEL), dtype=jnp.float32)
    # learned positional embedding table, nn.Embedding default init ~ N(0,1)
    pe_weight = jax.random.normal(kw, (IN_SIZE, D_MODEL), dtype=jnp.float32)
    return {"x": x, "pe_weight": pe_weight}

def reference(x, pe_weight):
    b = x.shape[0]
    # pe.weight.unsqueeze(0).repeat(b, 1, 1)
    return jnp.tile(pe_weight[None, :, :], (b, 1, 1))

if __name__ == "__main__":
    import jax
    _d = setup_inputs()
    print(jax.jit(kernel)(*tuple(_d.values())))

</pallas_src>

<mosaic_0001>
#map = affine_map<(d0, d1) -> (0, 0)>
#map1 = affine_map<(d0, d1) -> (0, 0, 0)>
module attributes {stable_mosaic.version = 14 : i64} {
  func.func @sc_copy(%arg0: i32, %arg1: i32, %arg2: memref<4096x1024xf32, #tpu.memory_space<hbm>>, %arg3: memref<1x4096x1024xf32, #tpu.memory_space<hbm>>, %arg4: memref<2x32x1024xf32, #tpu.memory_space<vmem>>, %arg5: memref<4x!tpu.dma_semaphore, #tpu.memory_space<semaphore_mem>>, %arg6: memref<4x!tpu.dma_semaphore, #tpu.memory_space<semaphore_mem>>) attributes {dimension_semantics = [#tpu.dimension_semantics<core_parallel>, #tpu.dimension_semantics<subcore_parallel>], iteration_bounds = array<i64: 2, 16>, scalar_prefetch = 0 : i64, scratch_operands = 3 : i64, tpu.core_type = #tpu.core_type<sc_vector_subcore>, window_params = [{transform_indices = #map}, {transform_indices = #map1}]} {
    %mul3A = arith.constant 2 : i32
    %mul3A_0 = arith.muli %arg1, %mul3A : i32
    %add3A = arith.addi %mul3A_0, %arg0 : i32
    %mul3A_1 = arith.constant 128 : i32
    %mul3A_2 = arith.muli %add3A, %mul3A_1 : i32
    %add3A_3 = arith.constant 0 : i32
    %add3A_4 = arith.addi %mul3A_2, %add3A_3 : i32
    %dma_start3A = arith.constant 0 : i32
    %dma_start3A_5 = arith.constant 0 : i32
    %dma_start3A_6 = arith.constant 0 : i32
    %dma_start3A_7 = arith.constant 0 : i32
    %dma_start3A_8 = tpu.memref_slice %arg4[%dma_start3A, %dma_start3A_6, %dma_start3A_7] : memref<2x32x1024xf32, #tpu.memory_space<vmem>> -> memref<1x32x1024xf32, #tpu.memory_space<vmem>>
    %dma_start3A_9 = tpu.memref_squeeze %dma_start3A_8 : memref<1x32x1024xf32, #tpu.memory_space<vmem>> -> memref<32x1024xf32, #tpu.memory_space<vmem>>
    %dma_start3A_10 = arith.constant 0 : i32
    %dma_start3A_11 = tpu.memref_slice %arg2[%add3A_4, %dma_start3A_10] : memref<4096x1024xf32, #tpu.memory_space<hbm>> -> memref<32x1024xf32, #tpu.memory_space<hbm>>
    %dma_start3A_12 = tpu.memref_slice %arg5[%dma_start3A_5] : memref<4x!tpu.dma_semaphore, #tpu.memory_space<semaphore_mem>> -> memref<1x!tpu.dma_semaphore, #tpu.memory_space<semaphore_mem>>
    %dma_start3A_13 = tpu.memref_squeeze %dma_start3A_12 : memref<1x!tpu.dma_semaphore, #tpu.memory_space<semaphore_mem>> -> memref<!tpu.dma_semaphore, #tpu.memory_space<semaphore_mem>>
    %dma_start3A_14 = arith.constant 0 : i32
    %dma_start3A_15 = arith.constant 0 : i32
    %dma_start3A_16 = tpu.memref_slice %arg4[%dma_start3A, %dma_start3A_14, %dma_start3A_15] : memref<2x32x1024xf32, #tpu.memory_space<vmem>> -> memref<1x32x1024xf32, #tpu.memory_space<vmem>>
    %dma_start3A_17 = tpu.memref_squeeze %dma_start3A_16 : memref<1x32x1024xf32, #tpu.memory_space<vmem>> -> memref<32x1024xf32, #tpu.memory_space<vmem>>
    %dma_start3A_18 = arith.constant 0 : i32
    %dma_start3A_19 = tpu.memref_slice %arg2[%add3A_4, %dma_start3A_18] : memref<4096x1024xf32, #tpu.memory_space<hbm>> -> memref<32x1024xf32, #tpu.memory_space<hbm>>
    tpu.enqueue_dma source(%dma_start3A_19 : memref<32x1024xf32, #tpu.memory_space<hbm>>) target(%dma_start3A_17 : memref<32x1024xf32, #tpu.memory_space<vmem>>) target_semaphore(%dma_start3A_13 : memref<!tpu.dma_semaphore, #tpu.memory_space<semaphore_mem>>)
    %add3A_20 = arith.constant 32 : i32
    %add3A_21 = arith.addi %mul3A_2, %add3A_20 : i32
    %dma_start3A_22 = arith.constant 1 : i32
    %dma_start3A_23 = arith.constant 1 : i32
    %dma_start3A_24 = arith.constant 0 : i32
    %dma_start3A_25 = arith.constant 0 : i32
    %dma_start3A_26 = tpu.memref_slice %arg4[%dma_start3A_22, %dma_start3A_24, %dma_start3A_25] : memref<2x32x1024xf32, #tpu.memory_space<vmem>> -> memref<1x32x1024xf32, #tpu.memory_space<vmem>>
    %dma_start3A_27 = tpu.memref_squeeze %dma_start3A_26 : memref<1x32x1024xf32, #tpu.memory_space<vmem>> -> memref<32x1024xf32, #tpu.memory_space<vmem>>
    %dma_start3A_28 = arith.constant 0 : i32
    %dma_start3A_29 = tpu.memref_slice %arg2[%add3A_21, %dma_start3A_28] : memref<4096x1024xf32, #tpu.memory_space<hbm>> -> memref<32x1024xf32, #tpu.memory_space<hbm>>
    %dma_start3A_30 = tpu.memref_slice %arg5[%dma_start3A_23] : memref<4x!tpu.dma_semaphore, #tpu.memory_space<semaphore_mem>> -> memref<1x!tpu.dma_semaphore, #tpu.memory_space<semaphore_mem>>
    %dma_start3A_31 = tpu.memref_squeeze %dma_start3A_30 : memref<1x!tpu.dma_semaphore, #tpu.memory_space<semaphore_mem>> -> memref<!tpu.dma_semaphore, #tpu.memory_space<semaphore_mem>>
    %dma_start3A_32 = arith.constant 0 : i32
    %dma_start3A_33 = arith.constant 0 : i32
    %dma_start3A_34 = tpu.memref_slice %arg4[%dma_start3A_22, %dma_start3A_32, %dma_start3A_33] : memref<2x32x1024xf32, #tpu.memory_space<vmem>> -> memref<1x32x1024xf32, #tpu.memory_space<vmem>>
    %dma_start3A_35 = tpu.memref_squeeze %dma_start3A_34 : memref<1x32x1024xf32, #tpu.memory_space<vmem>> -> memref<32x1024xf32, #tpu.memory_space<vmem>>
    %dma_start3A_36 = arith.constant 0 : i32
    %dma_start3A_37 = tpu.memref_slice %arg2[%add3A_21, %dma_start3A_36] : memref<4096x1024xf32, #tpu.memory_space<hbm>> -> memref<32x1024xf32, #tpu.memory_space<hbm>>
    tpu.enqueue_dma source(%dma_start3A_37 : memref<32x1024xf32, #tpu.memory_space<hbm>>) target(%dma_start3A_35 : memref<32x1024xf32, #tpu.memory_space<vmem>>) target_semaphore(%dma_start3A_31 : memref<!tpu.dma_semaphore, #tpu.memory_space<semaphore_mem>>)
    %add3A_38 = arith.constant 0 : i32
    %add3A_39 = arith.addi %mul3A_2, %add3A_38 : i32
    %dma_wait3A = arith.constant 0 : i32
    %dma_wait3A_40 = arith.constant 0 : i32
    %dma_wait3A_41 = arith.constant 0 : i32
    %dma_wait3A_42 = arith.constant 0 : i32
    %dma_wait3A_43 = tpu.memref_slice %arg4[%dma_wait3A, %dma_wait3A_41, %dma_wait3A_42] : memref<2x32x1024xf32, #tpu.memory_space<vmem>> -> memref<1x32x1024xf32, #tpu.memory_space<vmem>>
    %dma_wait3A_44 = tpu.memref_squeeze %dma_wait3A_43 : memref<1x32x1024xf32, #tpu.memory_space<vmem>> -> memref<32x1024xf32, #tpu.memory_space<vmem>>
    %dma_wait3A_45 = arith.constant 0 : i32
    %dma_wait3A_46 = tpu.memref_slice %arg2[%add3A_39, %dma_wait3A_45] : memref<4096x1024xf32, #tpu.memory_space<hbm>> -> memref<32x1024xf32, #tpu.memory_space<hbm>>
    %dma_wait3A_47 = tpu.memref_slice %arg5[%dma_wait3A_40] : memref<4x!tpu.dma_semaphore, #tpu.memory_space<semaphore_mem>> -> memref<1x!tpu.dma_semaphore, #tpu.memory_space<semaphore_mem>>
    %dma_wait3A_48 = tpu.memref_squeeze %dma_wait3A_47 : memref<1x!tpu.dma_semaphore, #tpu.memory_space<semaphore_mem>> -> memref<!tpu.dma_semaphore, #tpu.memory_space<semaphore_mem>>
    %dma_wait3A_49 = arith.constant 0 : i32
    %dma_wait3A_50 = arith.constant 0 : i32
    %dma_wait3A_51 = tpu.memref_slice %arg4[%dma_wait3A, %dma_wait3A_49, %dma_wait3A_50] : memref<2x32x1024xf32, #tpu.memory_space<vmem>> -> memref<1x32x1024xf32, #tpu.memory_space<vmem>>
    %dma_wait3A_52 = tpu.memref_squeeze %dma_wait3A_51 : memref<1x32x1024xf32, #tpu.memory_space<vmem>> -> memref<32x1024xf32, #tpu.memory_space<vmem>>
    %dma_wait3A_53 = arith.constant 0 : i32
    %dma_wait3A_54 = tpu.memref_slice %arg2[%add3A_39, %dma_wait3A_53] : memref<4096x1024xf32, #tpu.memory_space<hbm>> -> memref<32x1024xf32, #tpu.memory_space<hbm>>
    tpu.wait_dma2 semaphore(%dma_wait3A_48 : memref<!tpu.dma_semaphore, #tpu.memory_space<semaphore_mem>>) src(%dma_wait3A_54 : memref<32x1024xf32, #tpu.memory_space<hbm>>) dst(%dma_wait3A_52 : memref<32x1024xf32, #tpu.memory_space<vmem>>)
    %add3A_55 = arith.constant 0 : i32
    %add3A_56 = arith.addi %mul3A_2, %add3A_55 : i32
    %dma_start3A_57 = arith.constant 0 : i32
    %dma_start3A_58 = arith.constant 0 : i32
    %dma_start3A_59 = arith.constant 0 : i32
    %dma_start3A_60 = arith.constant 0 : i32
    %dma_start3A_61 = arith.constant 0 : i32
    %dma_start3A_62 = tpu.memref_slice %arg4[%dma_start3A_57, %dma_start3A_60, %dma_start3A_61] : memref<2x32x1024xf32, #tpu.memory_space<vmem>> -> memref<1x32x1024xf32, #tpu.memory_space<vmem>>
    %dma_start3A_63 = tpu.memref_squeeze %dma_start3A_62 : memref<1x32x1024xf32, #tpu.memory_space<vmem>> -> memref<32x1024xf32, #tpu.memory_space<vmem>>
    %dma_start3A_64 = arith.constant 0 : i32
    %dma_start3A_65 = tpu.memref_slice %arg3[%dma_start3A_58, %add3A_56, %dma_start3A_64] : memref<1x4096x1024xf32, #tpu.memory_space<hbm>> -> memref<1x32x1024xf32, #tpu.memory_space<hbm>>
    %dma_start3A_66 = tpu.memref_squeeze %dma_start3A_65 : memref<1x32x1024xf32, #tpu.memory_space<hbm>> -> memref<32x1024xf32, #tpu.memory_space<hbm>>
    %dma_start3A_67 = tpu.memref_slice %arg6[%dma_start3A_59] : memref<4x!tpu.dma_semaphore, #tpu.memory_space<semaphore_mem>> -> memref<1x!tpu.dma_semaphore, #tpu.memory_space<semaphore_mem>>
    %dma_start3A_68 = tpu.memref_squeeze %dma_start3A_67 : memref<1x!tpu.dma_semaphore, #tpu.memory_space<semaphore_mem>> -> memref<!tpu.dma_semaphore, #tpu.memory_space<semaphore_mem>>
    %dma_start3A_69 = arith.constant 0 : i32
    %dma_start3A_70 = tpu.memref_slice %arg3[%dma_start3A_58, %add3A_56, %dma_start3A_69] : memref<1x4096x1024xf32, #tpu.memory_space<hbm>> -> memref<1x32x1024xf32, #tpu.memory_space<hbm>>
    %dma_start3A_71 = tpu.memref_squeeze %dma_start3A_70 : memref<1x32x1024xf32, #tpu.memory_space<hbm>> -> memref<32x1024xf32, #tpu.memory_space<hbm>>
    %dma_start3A_72 = arith.constant 0 : i32
    %dma_start3A_73 = arith.constant 0 : i32
    %dma_start3A_74 = tpu.memref_slice %arg4[%dma_start3A_57, %dma_start3A_72, %dma_start3A_73] : memref<2x32x1024xf32, #tpu.memory_space<vmem>> -> memref<1x32x1024xf32, #tpu.memory_space<vmem>>
    %dma_start3A_75 = tpu.memref_squeeze %dma_start3A_74 : memref<1x32x1024xf32, #tpu.memory_space<vmem>> -> memref<32x1024xf32, #tpu.memory_space<vmem>>
    tpu.enqueue_dma source(%dma_start3A_75 : memref<32x1024xf32, #tpu.memory_space<vmem>>) target(%dma_start3A_71 : memref<32x1024xf32, #tpu.memory_space<hbm>>) target_semaphore(%dma_start3A_68 : memref<!tpu.dma_semaphore, #tpu.memory_space<semaphore_mem>>)
    %add3A_76 = arith.constant 0 : i32
    %add3A_77 = arith.addi %mul3A_2, %add3A_76 : i32
    %dma_wait3A_78 = arith.constant 0 : i32
    %dma_wait3A_79 = arith.constant 0 : i32
    %dma_wait3A_80 = arith.constant 0 : i32
    %dma_wait3A_81 = arith.constant 0 : i32
    %dma_wait3A_82 = arith.constant 0 : i32
    %dma_wait3A_83 = tpu.memref_slice %arg4[%dma_wait3A_78, %dma_wait3A_81, %dma_wait3A_82] : memref<2x32x1024xf32, #tpu.memory_space<vmem>> -> memref<1x32x1024xf32, #tpu.memory_space<vmem>>
    %dma_wait3A_84 = tpu.memref_squeeze %dma_wait3A_83 : memref<1x32x1024xf32, #tpu.memory_space<vmem>> -> memref<32x1024xf32, #tpu.memory_space<vmem>>
    %dma_wait3A_85 = arith.constant 0 : i32
    %dma_wait3A_86 = tpu.memref_slice %arg3[%dma_wait3A_79, %add3A_77, %dma_wait3A_85] : memref<1x4096x1024xf32, #tpu.memory_space<hbm>> -> memref<1x32x1024xf32, #tpu.memory_space<hbm>>
    %dma_wait3A_87 = tpu.memref_squeeze %dma_wait3A_86 : memref<1x32x1024xf32, #tpu.memory_space<hbm>> -> memref<32x1024xf32, #tpu.memory_space<hbm>>
    %dma_wait3A_88 = tpu.memref_slice %arg6[%dma_wait3A_80] : memref<4x!tpu.dma_semaphore, #tpu.memory_space<semaphore_mem>> -> memref<1x!tpu.dma_semaphore, #tpu.memory_space<semaphore_mem>>
    %dma_wait3A_89 = tpu.memref_squeeze %dma_wait3A_88 : memref<1x!tpu.dma_semaphore, #tpu.memory_space<semaphore_mem>> -> memref<!tpu.dma_semaphore, #tpu.memory_space<semaphore_mem>>
    %dma_wait3A_90 = arith.constant 0 : i32
    %dma_wait3A_91 = tpu.memref_slice %arg3[%dma_wait3A_79, %add3A_77, %dma_wait3A_90] : memref<1x4096x1024xf32, #tpu.memory_space<hbm>> -> memref<1x32x1024xf32, #tpu.memory_space<hbm>>
    %dma_wait3A_92 = tpu.memref_squeeze %dma_wait3A_91 : memref<1x32x1024xf32, #tpu.memory_space<hbm>> -> memref<32x1024xf32, #tpu.memory_space<hbm>>
    %dma_wait3A_93 = arith.constant 0 : i32
    %dma_wait3A_94 = arith.constant 0 : i32
    %dma_wait3A_95 = tpu.memref_slice %arg4[%dma_wait3A_78, %dma_wait3A_93, %dma_wait3A_94] : memref<2x32x1024xf32, #tpu.memory_space<vmem>> -> memref<1x32x1024xf32, #tpu.memory_space<vmem>>
    %dma_wait3A_96 = tpu.memref_squeeze %dma_wait3A_95 : memref<1x32x1024xf32, #tpu.memory_space<vmem>> -> memref<32x1024xf32, #tpu.memory_space<vmem>>
    tpu.wait_dma2 semaphore(%dma_wait3A_89 : memref<!tpu.dma_semaphore, #tpu.memory_space<semaphore_mem>>) src(%dma_wait3A_96 : memref<32x1024xf32, #tpu.memory_space<vmem>>) dst(%dma_wait3A_92 : memref<32x1024xf32, #tpu.memory_space<hbm>>)
    %add3A_97 = arith.constant 64 : i32
    %add3A_98 = arith.addi %mul3A_2, %add3A_97 : i32
    %dma_start3A_99 = arith.constant 0 : i32
    %dma_start3A_100 = arith.constant 2 : i32
    %dma_start3A_101 = arith.constant 0 : i32
    %dma_start3A_102 = arith.constant 0 : i32
    %dma_start3A_103 = tpu.memref_slice %arg4[%dma_start3A_99, %dma_start3A_101, %dma_start3A_102] : memref<2x32x1024xf32, #tpu.memory_space<vmem>> -> memref<1x32x1024xf32, #tpu.memory_space<vmem>>
    %dma_start3A_104 = tpu.memref_squeeze %dma_start3A_103 : memref<1x32x1024xf32, #tpu.memory_space<vmem>> -> memref<32x1024xf32, #tpu.memory_space<vmem>>
    %dma_start3A_105 = arith.constant 0 : i32
    %dma_start3A_106 = tpu.memref_slice %arg2[%add3A_98, %dma_start3A_105] : memref<4096x1024xf32, #tpu.memory_space<hbm>> -> memref<32x1024xf32, #tpu.memory_space<hbm>>
    %dma_start3A_107 = tpu.memref_slice %arg5[%dma_start3A_100] : memref<4x!tpu.dma_semaphore, #tpu.memory_space<semaphore_mem>> -> memref<1x!tpu.dma_semaphore, #tpu.memory_space<semaphore_mem>>
    %dma_start3A_108 = tpu.memref_squeeze %dma_start3A_107 : memref<1x!tpu.dma_semaphore, #tpu.memory_space<semaphore_mem>> -> memref<!tpu.dma_semaphore, #tpu.memory_space<semaphore_mem>>
    %dma_start3A_109 = arith.constant 0 : i32
    %dma_start3A_110 = arith.constant 0 : i32
    %dma_start3A_111 = tpu.memref_slice %arg4[%dma_start3A_99, %dma_start3A_109, %dma_start3A_110] : memref<2x32x1024xf32, #tpu.memory_space<vmem>> -> memref<1x32x1024xf32, #tpu.memory_space<vmem>>
    %dma_start3A_112 = tpu.memref_squeeze %dma_start3A_111 : memref<1x32x1024xf32, #tpu.memory_space<vmem>> -> memref<32x1024xf32, #tpu.memory_space<vmem>>
    %dma_start3A_113 = arith.constant 0 : i32
    %dma_start3A_114 = tpu.memref_slice %arg2[%add3A_98, %dma_start3A_113] : memref<4096x1024xf32, #tpu.memory_space<hbm>> -> memref<32x1024xf32, #tpu.memory_space<hbm>>
    tpu.enqueue_dma source(%dma_start3A_114 : memref<32x1024xf32, #tpu.memory_space<hbm>>) target(%dma_start3A_112 : memref<32x1024xf32, #tpu.memory_space<vmem>>) target_semaphore(%dma_start3A_108 : memref<!tpu.dma_semaphore, #tpu.memory_space<semaphore_mem>>)
    %add3A_115 = arith.constant 32 : i32
    %add3A_116 = arith.addi %mul3A_2, %add3A_115 : i32
    %dma_wait3A_117 = arith.constant 1 : i32
    %dma_wait3A_118 = arith.constant 1 : i32
    %dma_wait3A_119 = arith.constant 0 : i32
    %dma_wait3A_120 = arith.constant 0 : i32
    %dma_wait3A_121 = tpu.memref_slice %arg4[%dma_wait3A_117, %dma_wait3A_119, %dma_wait3A_120] : memref<2x32x1024xf32, #tpu.memory_space<vmem>> -> memref<1x32x1024xf32, #tpu.memory_space<vmem>>
    %dma_wait3A_122 = tpu.memref_squeeze %dma_wait3A_121 : memref<1x32x1024xf32, #tpu.memory_space<vmem>> -> memref<32x1024xf32, #tpu.memory_space<vmem>>
    %dma_wait3A_123 = arith.constant 0 : i32
    %dma_wait3A_124 = tpu.memref_slice %arg2[%add3A_116, %dma_wait3A_123] : memref<4096x1024xf32, #tpu.memory_space<hbm>> -> memref<32x1024xf32, #tpu.memory_space<hbm>>
    %dma_wait3A_125 = tpu.memref_slice %arg5[%dma_wait3A_118] : memref<4x!tpu.dma_semaphore, #tpu.memory_space<semaphore_mem>> -> memref<1x!tpu.dma_semaphore, #tpu.memory_space<semaphore_mem>>
    %dma_wait3A_126 = tpu.memref_squeeze %dma_wait3A_125 : memref<1x!tpu.dma_semaphore, #tpu.memory_space<semaphore_mem>> -> memref<!tpu.dma_semaphore, #tpu.memory_space<semaphore_mem>>
    %dma_wait3A_127 = arith.constant 0 : i32
    %dma_wait3A_128 = arith.constant 0 : i32
    %dma_wait3A_129 = tpu.memref_slice %arg4[%dma_wait3A_117, %dma_wait3A_127, %dma_wait3A_128] : memref<2x32x1024xf32, #tpu.memory_space<vmem>> -> memref<1x32x1024xf32, #tpu.memory_space<vmem>>
    %dma_wait3A_130 = tpu.memref_squeeze %dma_wait3A_129 : memref<1x32x1024xf32, #tpu.memory_space<vmem>> -> memref<32x1024xf32, #tpu.memory_space<vmem>>
    %dma_wait3A_131 = arith.constant 0 : i32
    %dma_wait3A_132 = tpu.memref_slice %arg2[%add3A_116, %dma_wait3A_131] : memref<4096x1024xf32, #tpu.memory_space<hbm>> -> memref<32x1024xf32, #tpu.memory_space<hbm>>
    tpu.wait_dma2 semaphore(%dma_wait3A_126 : memref<!tpu.dma_semaphore, #tpu.memory_space<semaphore_mem>>) src(%dma_wait3A_132 : memref<32x1024xf32, #tpu.memory_space<hbm>>) dst(%dma_wait3A_130 : memref<32x1024xf32, #tpu.memory_space<vmem>>)
    %add3A_133 = arith.constant 32 : i32
    %add3A_134 = arith.addi %mul3A_2, %add3A_133 : i32
    %dma_start3A_135 = arith.constant 1 : i32
    %dma_start3A_136 = arith.constant 0 : i32
    %dma_start3A_137 = arith.constant 1 : i32
    %dma_start3A_138 = arith.constant 0 : i32
    %dma_start3A_139 = arith.constant 0 : i32
    %dma_start3A_140 = tpu.memref_slice %arg4[%dma_start3A_135, %dma_start3A_138, %dma_start3A_139] : memref<2x32x1024xf32, #tpu.memory_space<vmem>> -> memref<1x32x1024xf32, #tpu.memory_space<vmem>>
    %dma_start3A_141 = tpu.memref_squeeze %dma_start3A_140 : memref<1x32x1024xf32, #tpu.memory_space<vmem>> -> memref<32x1024xf32, #tpu.memory_space<vmem>>
    %dma_start3A_142 = arith.constant 0 : i32
    %dma_start3A_143 = tpu.memref_slice %arg3[%dma_start3A_136, %add3A_134, %dma_start3A_142] : memref<1x4096x1024xf32, #tpu.memory_space<hbm>> -> memref<1x32x1024xf32, #tpu.memory_space<hbm>>
    %dma_start3A_144 = tpu.memref_squeeze %dma_start3A_143 : memref<1x32x1024xf32, #tpu.memory_space<hbm>> -> memref<32x1024xf32, #tpu.memory_space<hbm>>
    %dma_start3A_145 = tpu.memref_slice %arg6[%dma_start3A_137] : memref<4x!tpu.dma_semaphore, #tpu.memory_space<semaphore_mem>> -> memref<1x!tpu.dma_semaphore, #tpu.memory_space<semaphore_mem>>
    %dma_start3A_146 = tpu.memref_squeeze %dma_start3A_145 : memref<1x!tpu.dma_semaphore, #tpu.memory_space<semaphore_mem>> -> memref<!tpu.dma_semaphore, #tpu.memory_space<semaphore_mem>>
    %dma_start3A_147 = arith.constant 0 : i32
    %dma_start3A_148 = tpu.memref_slice %arg3[%dma_start3A_136, %add3A_134, %dma_start3A_147] : memref<1x4096x1024xf32, #tpu.memory_space<hbm>> -> memref<1x32x1024xf32, #tpu.memory_space<hbm>>
    %dma_start3A_149 = tpu.memref_squeeze %dma_start3A_148 : memref<1x32x1024xf32, #tpu.memory_space<hbm>> -> memref<32x1024xf32, #tpu.memory_space<hbm>>
    %dma_start3A_150 = arith.constant 0 : i32
    %dma_start3A_151 = arith.constant 0 : i32
    %dma_start3A_152 = tpu.memref_slice %arg4[%dma_start3A_135, %dma_start3A_150, %dma_start3A_151] : memref<2x32x1024xf32, #tpu.memory_space<vmem>> -> memref<1x32x1024xf32, #tpu.memory_space<vmem>>
    %dma_start3A_153 = tpu.memref_squeeze %dma_start3A_152 : memref<1x32x1024xf32, #tpu.memory_space<vmem>> -> memref<32x1024xf32, #tpu.memory_space<vmem>>
    tpu.enqueue_dma source(%dma_start3A_153 : memref<32x1024xf32, #tpu.memory_space<vmem>>) target(%dma_start3A_149 : memref<32x1024xf32, #tpu.memory_space<hbm>>) target_semaphore(%dma_start3A_146 : memref<!tpu.dma_semaphore, #tpu.memory_space<semaphore_mem>>)
    %add3A_154 = arith.constant 32 : i32
    %add3A_155 = arith.addi %mul3A_2, %add3A_154 : i32
    %dma_wait3A_156 = arith.constant 1 : i32
    %dma_wait3A_157 = arith.constant 0 : i32
    %dma_wait3A_158 = arith.constant 1 : i32
    %dma_wait3A_159 = arith.constant 0 : i32
    %dma_wait3A_160 = arith.constant 0 : i32
    %dma_wait3A_161 = tpu.memref_slice %arg4[%dma_wait3A_156, %dma_wait3A_159, %dma_wait3A_160] : memref<2x32x1024xf32, #tpu.memory_space<vmem>> -> memref<1x32x1024xf32, #tpu.memory_space<vmem>>
    %dma_wait3A_162 = tpu.memref_squeeze %dma_wait3A_161 : memref<1x32x1024xf32, #tpu.memory_space<vmem>> -> memref<32x1024xf32, #tpu.memory_space<vmem>>
    %dma_wait3A_163 = arith.constant 0 : i32
    %dma_wait3A_164 = tpu.memref_slice %arg3[%dma_wait3A_157, %add3A_155, %dma_wait3A_163] : memref<1x4096x1024xf32, #tpu.memory_space<hbm>> -> memref<1x32x1024xf32, #tpu.memory_space<hbm>>
    %dma_wait3A_165 = tpu.memref_squeeze %dma_wait3A_164 : memref<1x32x1024xf32, #tpu.memory_space<hbm>> -> memref<32x1024xf32, #tpu.memory_space<hbm>>
    %dma_wait3A_166 = tpu.memref_slice %arg6[%dma_wait3A_158] : memref<4x!tpu.dma_semaphore, #tpu.memory_space<semaphore_mem>> -> memref<1x!tpu.dma_semaphore, #tpu.memory_space<semaphore_mem>>
    %dma_wait3A_167 = tpu.memref_squeeze %dma_wait3A_166 : memref<1x!tpu.dma_semaphore, #tpu.memory_space<semaphore_mem>> -> memref<!tpu.dma_semaphore, #tpu.memory_space<semaphore_mem>>
    %dma_wait3A_168 = arith.constant 0 : i32
    %dma_wait3A_169 = tpu.memref_slice %arg3[%dma_wait3A_157, %add3A_155, %dma_wait3A_168] : memref<1x4096x1024xf32, #tpu.memory_space<hbm>> -> memref<1x32x1024xf32, #tpu.memory_space<hbm>>
    %dma_wait3A_170 = tpu.memref_squeeze %dma_wait3A_169 : memref<1x32x1024xf32, #tpu.memory_space<hbm>> -> memref<32x1024xf32, #tpu.memory_space<hbm>>
    %dma_wait3A_171 = arith.constant 0 : i32
    %dma_wait3A_172 = arith.constant 0 : i32
    %dma_wait3A_173 = tpu.memref_slice %arg4[%dma_wait3A_156, %dma_wait3A_171, %dma_wait3A_172] : memref<2x32x1024xf32, #tpu.memory_space<vmem>> -> memref<1x32x1024xf32, #tpu.memory_space<vmem>>
    %dma_wait3A_174 = tpu.memref_squeeze %dma_wait3A_173 : memref<1x32x1024xf32, #tpu.memory_space<vmem>> -> memref<32x1024xf32, #tpu.memory_space<vmem>>
    tpu.wait_dma2 semaphore(%dma_wait3A_167 : memref<!tpu.dma_semaphore, #tpu.memory_space<semaphore_mem>>) src(%dma_wait3A_174 : memref<32x1024xf32, #tpu.memory_space<vmem>>) dst(%dma_wait3A_170 : memref<32x1024xf32, #tpu.memory_space<hbm>>)
    %add3A_175 = arith.constant 96 : i32
    %add3A_176 = arith.addi %mul3A_2, %add3A_175 : i32
    %dma_start3A_177 = arith.constant 1 : i32
    %dma_start3A_178 = arith.constant 3 : i32
    %dma_start3A_179 = arith.constant 0 : i32
    %dma_start3A_180 = arith.constant 0 : i32
    %dma_start3A_181 = tpu.memref_slice %arg4[%dma_start3A_177, %dma_start3A_179, %dma_start3A_180] : memref<2x32x1024xf32, #tpu.memory_space<vmem>> -> memref<1x32x1024xf32, #tpu.memory_space<vmem>>
    %dma_start3A_182 = tpu.memref_squeeze %dma_start3A_181 : memref<1x32x1024xf32, #tpu.memory_space<vmem>> -> memref<32x1024xf32, #tpu.memory_space<vmem>>
    %dma_start3A_183 = arith.constant 0 : i32
    %dma_start3A_184 = tpu.memref_slice %arg2[%add3A_176, %dma_start3A_183] : memref<4096x1024xf32, #tpu.memory_space<hbm>> -> memref<32x1024xf32, #tpu.memory_space<hbm>>
    %dma_start3A_185 = tpu.memref_slice %arg5[%dma_start3A_178] : memref<4x!tpu.dma_semaphore, #tpu.memory_space<semaphore_mem>> -> memref<1x!tpu.dma_semaphore, #tpu.memory_space<semaphore_mem>>
    %dma_start3A_186 = tpu.memref_squeeze %dma_start3A_185 : memref<1x!tpu.dma_semaphore, #tpu.memory_space<semaphore_mem>> -> memref<!tpu.dma_semaphore, #tpu.memory_space<semaphore_mem>>
    %dma_start3A_187 = arith.constant 0 : i32
    %dma_start3A_188 = arith.constant 0 : i32
    %dma_start3A_189 = tpu.memref_slice %arg4[%dma_start3A_177, %dma_start3A_187, %dma_start3A_188] : memref<2x32x1024xf32, #tpu.memory_space<vmem>> -> memref<1x32x1024xf32, #tpu.memory_space<vmem>>
    %dma_start3A_190 = tpu.memref_squeeze %dma_start3A_189 : memref<1x32x1024xf32, #tpu.memory_space<vmem>> -> memref<32x1024xf32, #tpu.memory_space<vmem>>
    %dma_start3A_191 = arith.constant 0 : i32
    %dma_start3A_192 = tpu.memref_slice %arg2[%add3A_176, %dma_start3A_191] : memref<4096x1024xf32, #tpu.memory_space<hbm>> -> memref<32x1024xf32, #tpu.memory_space<hbm>>
    tpu.enqueue_dma source(%dma_start3A_192 : memref<32x1024xf32, #tpu.memory_space<hbm>>) target(%dma_start3A_190 : memref<32x1024xf32, #tpu.memory_space<vmem>>) target_semaphore(%dma_start3A_186 : memref<!tpu.dma_semaphore, #tpu.memory_space<semaphore_mem>>)
    %add3A_193 = arith.constant 64 : i32
    %add3A_194 = arith.addi %mul3A_2, %add3A_193 : i32
    %dma_wait3A_195 = arith.constant 0 : i32
    %dma_wait3A_196 = arith.constant 2 : i32
    %dma_wait3A_197 = arith.constant 0 : i32
    %dma_wait3A_198 = arith.constant 0 : i32
    %dma_wait3A_199 = tpu.memref_slice %arg4[%dma_wait3A_195, %dma_wait3A_197, %dma_wait3A_198] : memref<2x32x1024xf32, #tpu.memory_space<vmem>> -> memref<1x32x1024xf32, #tpu.memory_space<vmem>>
    %dma_wait3A_200 = tpu.memref_squeeze %dma_wait3A_199 : memref<1x32x1024xf32, #tpu.memory_space<vmem>> -> memref<32x1024xf32, #tpu.memory_space<vmem>>
    %dma_wait3A_201 = arith.constant 0 : i32
    %dma_wait3A_202 = tpu.memref_slice %arg2[%add3A_194, %dma_wait3A_201] : memref<4096x1024xf32, #tpu.memory_space<hbm>> -> memref<32x1024xf32, #tpu.memory_space<hbm>>
    %dma_wait3A_203 = tpu.memref_slice %arg5[%dma_wait3A_196] : memref<4x!tpu.dma_semaphore, #tpu.memory_space<semaphore_mem>> -> memref<1x!tpu.dma_semaphore, #tpu.memory_space<semaphore_mem>>
    %dma_wait3A_204 = tpu.memref_squeeze %dma_wait3A_203 : memref<1x!tpu.dma_semaphore, #tpu.memory_space<semaphore_mem>> -> memref<!tpu.dma_semaphore, #tpu.memory_space<semaphore_mem>>
    %dma_wait3A_205 = arith.constant 0 : i32
    %dma_wait3A_206 = arith.constant 0 : i32
    %dma_wait3A_207 = tpu.memref_slice %arg4[%dma_wait3A_195, %dma_wait3A_205, %dma_wait3A_206] : memref<2x32x1024xf32, #tpu.memory_space<vmem>> -> memref<1x32x1024xf32, #tpu.memory_space<vmem>>
    %dma_wait3A_208 = tpu.memref_squeeze %dma_wait3A_207 : memref<1x32x1024xf32, #tpu.memory_space<vmem>> -> memref<32x1024xf32, #tpu.memory_space<vmem>>
    %dma_wait3A_209 = arith.constant 0 : i32
    %dma_wait3A_210 = tpu.memref_slice %arg2[%add3A_194, %dma_wait3A_209] : memref<4096x1024xf32, #tpu.memory_space<hbm>> -> memref<32x1024xf32, #tpu.memory_space<hbm>>
    tpu.wait_dma2 semaphore(%dma_wait3A_204 : memref<!tpu.dma_semaphore, #tpu.memory_space<semaphore_mem>>) src(%dma_wait3A_210 : memref<32x1024xf32, #tpu.memory_space<hbm>>) dst(%dma_wait3A_208 : memref<32x1024xf32, #tpu.memory_space<vmem>>)
    %add3A_211 = arith.constant 64 : i32
    %add3A_212 = arith.addi %mul3A_2, %add3A_211 : i32
    %dma_start3A_213 = arith.constant 0 : i32
    %dma_start3A_214 = arith.constant 0 : i32
    %dma_start3A_215 = arith.constant 2 : i32
    %dma_start3A_216 = arith.constant 0 : i32
    %dma_start3A_217 = arith.constant 0 : i32
    %dma_start3A_218 = tpu.memref_slice %arg4[%dma_start3A_213, %dma_start3A_216, %dma_start3A_217] : memref<2x32x1024xf32, #tpu.memory_space<vmem>> -> memref<1x32x1024xf32, #tpu.memory_space<vmem>>
    %dma_start3A_219 = tpu.memref_squeeze %dma_start3A_218 : memref<1x32x1024xf32, #tpu.memory_space<vmem>> -> memref<32x1024xf32, #tpu.memory_space<vmem>>
    %dma_start3A_220 = arith.constant 0 : i32
    %dma_start3A_221 = tpu.memref_slice %arg3[%dma_start3A_214, %add3A_212, %dma_start3A_220] : memref<1x4096x1024xf32, #tpu.memory_space<hbm>> -> memref<1x32x1024xf32, #tpu.memory_space<hbm>>
    %dma_start3A_222 = tpu.memref_squeeze %dma_start3A_221 : memref<1x32x1024xf32, #tpu.memory_space<hbm>> -> memref<32x1024xf32, #tpu.memory_space<hbm>>
    %dma_start3A_223 = tpu.memref_slice %arg6[%dma_start3A_215] : memref<4x!tpu.dma_semaphore, #tpu.memory_space<semaphore_mem>> -> memref<1x!tpu.dma_semaphore, #tpu.memory_space<semaphore_mem>>
    %dma_start3A_224 = tpu.memref_squeeze %dma_start3A_223 : memref<1x!tpu.dma_semaphore, #tpu.memory_space<semaphore_mem>> -> memref<!tpu.dma_semaphore, #tpu.memory_space<semaphore_mem>>
    %dma_start3A_225 = arith.constant 0 : i32
    %dma_start3A_226 = tpu.memref_slice %arg3[%dma_start3A_214, %add3A_212, %dma_start3A_225] : memref<1x4096x1024xf32, #tpu.memory_space<hbm>> -> memref<1x32x1024xf32, #tpu.memory_space<hbm>>
    %dma_start3A_227 = tpu.memref_squeeze %dma_start3A_226 : memref<1x32x1024xf32, #tpu.memory_space<hbm>> -> memref<32x1024xf32, #tpu.memory_space<hbm>>
    %dma_start3A_228 = arith.constant 0 : i32
    %dma_start3A_229 = arith.constant 0 : i32
    %dma_start3A_230 = tpu.memref_slice %arg4[%dma_start3A_213, %dma_start3A_228, %dma_start3A_229] : memref<2x32x1024xf32, #tpu.memory_space<vmem>> -> memref<1x32x1024xf32, #tpu.memory_space<vmem>>
    %dma_start3A_231 = tpu.memref_squeeze %dma_start3A_230 : memref<1x32x1024xf32, #tpu.memory_space<vmem>> -> memref<32x1024xf32, #tpu.memory_space<vmem>>
    tpu.enqueue_dma source(%dma_start3A_231 : memref<32x1024xf32, #tpu.memory_space<vmem>>) target(%dma_start3A_227 : memref<32x1024xf32, #tpu.memory_space<hbm>>) target_semaphore(%dma_start3A_224 : memref<!tpu.dma_semaphore, #tpu.memory_space<semaphore_mem>>)
    %add3A_232 = arith.constant 96 : i32
    %add3A_233 = arith.addi %mul3A_2, %add3A_232 : i32
    %dma_wait3A_234 = arith.constant 1 : i32
    %dma_wait3A_235 = arith.constant 3 : i32
    %dma_wait3A_236 = arith.constant 0 : i32
    %dma_wait3A_237 = arith.constant 0 : i32
    %dma_wait3A_238 = tpu.memref_slice %arg4[%dma_wait3A_234, %dma_wait3A_236, %dma_wait3A_237] : memref<2x32x1024xf32, #tpu.memory_space<vmem>> -> memref<1x32x1024xf32, #tpu.memory_space<vmem>>
    %dma_wait3A_239 = tpu.memref_squeeze %dma_wait3A_238 : memref<1x32x1024xf32, #tpu.memory_space<vmem>> -> memref<32x1024xf32, #tpu.memory_space<vmem>>
    %dma_wait3A_240 = arith.constant 0 : i32
    %dma_wait3A_241 = tpu.memref_slice %arg2[%add3A_233, %dma_wait3A_240] : memref<4096x1024xf32, #tpu.memory_space<hbm>> -> memref<32x1024xf32, #tpu.memory_space<hbm>>
    %dma_wait3A_242 = tpu.memref_slice %arg5[%dma_wait3A_235] : memref<4x!tpu.dma_semaphore, #tpu.memory_space<semaphore_mem>> -> memref<1x!tpu.dma_semaphore, #tpu.memory_space<semaphore_mem>>
    %dma_wait3A_243 = tpu.memref_squeeze %dma_wait3A_242 : memref<1x!tpu.dma_semaphore, #tpu.memory_space<semaphore_mem>> -> memref<!tpu.dma_semaphore, #tpu.memory_space<semaphore_mem>>
    %dma_wait3A_244 = arith.constant 0 : i32
    %dma_wait3A_245 = arith.constant 0 : i32
    %dma_wait3A_246 = tpu.memref_slice %arg4[%dma_wait3A_234, %dma_wait3A_244, %dma_wait3A_245] : memref<2x32x1024xf32, #tpu.memory_space<vmem>> -> memref<1x32x1024xf32, #tpu.memory_space<vmem>>
    %dma_wait3A_247 = tpu.memref_squeeze %dma_wait3A_246 : memref<1x32x1024xf32, #tpu.memory_space<vmem>> -> memref<32x1024xf32, #tpu.memory_space<vmem>>
    %dma_wait3A_248 = arith.constant 0 : i32
    %dma_wait3A_249 = tpu.memref_slice %arg2[%add3A_233, %dma_wait3A_248] : memref<4096x1024xf32, #tpu.memory_space<hbm>> -> memref<32x1024xf32, #tpu.memory_space<hbm>>
    tpu.wait_dma2 semaphore(%dma_wait3A_243 : memref<!tpu.dma_semaphore, #tpu.memory_space<semaphore_mem>>) src(%dma_wait3A_249 : memref<32x1024xf32, #tpu.memory_space<hbm>>) dst(%dma_wait3A_247 : memref<32x1024xf32, #tpu.memory_space<vmem>>)
    %add3A_250 = arith.constant 96 : i32
    %add3A_251 = arith.addi %mul3A_2, %add3A_250 : i32
    %dma_start3A_252 = arith.constant 1 : i32
    %dma_start3A_253 = arith.constant 0 : i32
    %dma_start3A_254 = arith.constant 3 : i32
    %dma_start3A_255 = arith.constant 0 : i32
    %dma_start3A_256 = arith.constant 0 : i32
    %dma_start3A_257 = tpu.memref_slice %arg4[%dma_start3A_252, %dma_start3A_255, %dma_start3A_256] : memref<2x32x1024xf32, #tpu.memory_space<vmem>> -> memref<1x32x1024xf32, #tpu.memory_space<vmem>>
    %dma_start3A_258 = tpu.memref_squeeze %dma_start3A_257 : memref<1x32x1024xf32, #tpu.memory_space<vmem>> -> memref<32x1024xf32, #tpu.memory_space<vmem>>
    %dma_start3A_259 = arith.constant 0 : i32
    %dma_start3A_260 = tpu.memref_slice %arg3[%dma_start3A_253, %add3A_251, %dma_start3A_259] : memref<1x4096x1024xf32, #tpu.memory_space<hbm>> -> memref<1x32x1024xf32, #tpu.memory_space<hbm>>
    %dma_start3A_261 = tpu.memref_squeeze %dma_start3A_260 : memref<1x32x1024xf32, #tpu.memory_space<hbm>> -> memref<32x1024xf32, #tpu.memory_space<hbm>>
    %dma_start3A_262 = tpu.memref_slice %arg6[%dma_start3A_254] : memref<4x!tpu.dma_semaphore, #tpu.memory_space<semaphore_mem>> -> memref<1x!tpu.dma_semaphore, #tpu.memory_space<semaphore_mem>>
    %dma_start3A_263 = tpu.memref_squeeze %dma_start3A_262 : memref<1x!tpu.dma_semaphore, #tpu.memory_space<semaphore_mem>> -> memref<!tpu.dma_semaphore, #tpu.memory_space<semaphore_mem>>
    %dma_start3A_264 = arith.constant 0 : i32
    %dma_start3A_265 = tpu.memref_slice %arg3[%dma_start3A_253, %add3A_251, %dma_start3A_264] : memref<1x4096x1024xf32, #tpu.memory_space<hbm>> -> memref<1x32x1024xf32, #tpu.memory_space<hbm>>
    %dma_start3A_266 = tpu.memref_squeeze %dma_start3A_265 : memref<1x32x1024xf32, #tpu.memory_space<hbm>> -> memref<32x1024xf32, #tpu.memory_space<hbm>>
    %dma_start3A_267 = arith.constant 0 : i32
    %dma_start3A_268 = arith.constant 0 : i32
    %dma_start3A_269 = tpu.memref_slice %arg4[%dma_start3A_252, %dma_start3A_267, %dma_start3A_268] : memref<2x32x1024xf32, #tpu.memory_space<vmem>> -> memref<1x32x1024xf32, #tpu.memory_space<vmem>>
    %dma_start3A_270 = tpu.memref_squeeze %dma_start3A_269 : memref<1x32x1024xf32, #tpu.memory_space<vmem>> -> memref<32x1024xf32, #tpu.memory_space<vmem>>
    tpu.enqueue_dma source(%dma_start3A_270 : memref<32x1024xf32, #tpu.memory_space<vmem>>) target(%dma_start3A_266 : memref<32x1024xf32, #tpu.memory_space<hbm>>) target_semaphore(%dma_start3A_263 : memref<!tpu.dma_semaphore, #tpu.memory_space<semaphore_mem>>)
    %add3A_271 = arith.constant 64 : i32
    %add3A_272 = arith.addi %mul3A_2, %add3A_271 : i32
    %dma_wait3A_273 = arith.constant 0 : i32
    %dma_wait3A_274 = arith.constant 0 : i32
    %dma_wait3A_275 = arith.constant 2 : i32
    %dma_wait3A_276 = arith.constant 0 : i32
    %dma_wait3A_277 = arith.constant 0 : i32
    %dma_wait3A_278 = tpu.memref_slice %arg4[%dma_wait3A_273, %dma_wait3A_276, %dma_wait3A_277] : memref<2x32x1024xf32, #tpu.memory_space<vmem>> -> memref<1x32x1024xf32, #tpu.memory_space<vmem>>
    %dma_wait3A_279 = tpu.memref_squeeze %dma_wait3A_278 : memref<1x32x1024xf32, #tpu.memory_space<vmem>> -> memref<32x1024xf32, #tpu.memory_space<vmem>>
    %dma_wait3A_280 = arith.constant 0 : i32
    %dma_wait3A_281 = tpu.memref_slice %arg3[%dma_wait3A_274, %add3A_272, %dma_wait3A_280] : memref<1x4096x1024xf32, #tpu.memory_space<hbm>> -> memref<1x32x1024xf32, #tpu.memory_space<hbm>>
    %dma_wait3A_282 = tpu.memref_squeeze %dma_wait3A_281 : memref<1x32x1024xf32, #tpu.memory_space<hbm>> -> memref<32x1024xf32, #tpu.memory_space<hbm>>
    %dma_wait3A_283 = tpu.memref_slice %arg6[%dma_wait3A_275] : memref<4x!tpu.dma_semaphore, #tpu.memory_space<semaphore_mem>> -> memref<1x!tpu.dma_semaphore, #tpu.memory_space<semaphore_mem>>
    %dma_wait3A_284 = tpu.memref_squeeze %dma_wait3A_283 : memref<1x!tpu.dma_semaphore, #tpu.memory_space<semaphore_mem>> -> memref<!tpu.dma_semaphore, #tpu.memory_space<semaphore_mem>>
    %dma_wait3A_285 = arith.constant 0 : i32
    %dma_wait3A_286 = tpu.memref_slice %arg3[%dma_wait3A_274, %add3A_272, %dma_wait3A_285] : memref<1x4096x1024xf32, #tpu.memory_space<hbm>> -> memref<1x32x1024xf32, #tpu.memory_space<hbm>>
    %dma_wait3A_287 = tpu.memref_squeeze %dma_wait3A_286 : memref<1x32x1024xf32, #tpu.memory_space<hbm>> -> memref<32x1024xf32, #tpu.memory_space<hbm>>
    %dma_wait3A_288 = arith.constant 0 : i32
    %dma_wait3A_289 = arith.constant 0 : i32
    %dma_wait3A_290 = tpu.memref_slice %arg4[%dma_wait3A_273, %dma_wait3A_288, %dma_wait3A_289] : memref<2x32x1024xf32, #tpu.memory_space<vmem>> -> memref<1x32x1024xf32, #tpu.memory_space<vmem>>
    %dma_wait3A_291 = tpu.memref_squeeze %dma_wait3A_290 : memref<1x32x1024xf32, #tpu.memory_space<vmem>> -> memref<32x1024xf32, #tpu.memory_space<vmem>>
    tpu.wait_dma2 semaphore(%dma_wait3A_284 : memref<!tpu.dma_semaphore, #tpu.memory_space<semaphore_mem>>) src(%dma_wait3A_291 : memref<32x1024xf32, #tpu.memory_space<vmem>>) dst(%dma_wait3A_287 : memref<32x1024xf32, #tpu.memory_space<hbm>>)
    %add3A_292 = arith.constant 96 : i32
    %add3A_293 = arith.addi %mul3A_2, %add3A_292 : i32
    %dma_wait3A_294 = arith.constant 1 : i32
    %dma_wait3A_295 = arith.constant 0 : i32
    %dma_wait3A_296 = arith.constant 3 : i32
    %dma_wait3A_297 = arith.constant 0 : i32
    %dma_wait3A_298 = arith.constant 0 : i32
    %dma_wait3A_299 = tpu.memref_slice %arg4[%dma_wait3A_294, %dma_wait3A_297, %dma_wait3A_298] : memref<2x32x1024xf32, #tpu.memory_space<vmem>> -> memref<1x32x1024xf32, #tpu.memory_space<vmem>>
    %dma_wait3A_300 = tpu.memref_squeeze %dma_wait3A_299 : memref<1x32x1024xf32, #tpu.memory_space<vmem>> -> memref<32x1024xf32, #tpu.memory_space<vmem>>
    %dma_wait3A_301 = arith.constant 0 : i32
    %dma_wait3A_302 = tpu.memref_slice %arg3[%dma_wait3A_295, %add3A_293, %dma_wait3A_301] : memref<1x4096x1024xf32, #tpu.memory_space<hbm>> -> memref<1x32x1024xf32, #tpu.memory_space<hbm>>
    %dma_wait3A_303 = tpu.memref_squeeze %dma_wait3A_302 : memref<1x32x1024xf32, #tpu.memory_space<hbm>> -> memref<32x1024xf32, #tpu.memory_space<hbm>>
    %dma_wait3A_304 = tpu.memref_slice %arg6[%dma_wait3A_296] : memref<4x!tpu.dma_semaphore, #tpu.memory_space<semaphore_mem>> -> memref<1x!tpu.dma_semaphore, #tpu.memory_space<semaphore_mem>>
    %dma_wait3A_305 = tpu.memref_squeeze %dma_wait3A_304 : memref<1x!tpu.dma_semaphore, #tpu.memory_space<semaphore_mem>> -> memref<!tpu.dma_semaphore, #tpu.memory_space<semaphore_mem>>
    %dma_wait3A_306 = arith.constant 0 : i32
    %dma_wait3A_307 = tpu.memref_slice %arg3[%dma_wait3A_295, %add3A_293, %dma_wait3A_306] : memref<1x4096x1024xf32, #tpu.memory_space<hbm>> -> memref<1x32x1024xf32, #tpu.memory_space<hbm>>
    %dma_wait3A_308 = tpu.memref_squeeze %dma_wait3A_307 : memref<1x32x1024xf32, #tpu.memory_space<hbm>> -> memref<32x1024xf32, #tpu.memory_space<hbm>>
    %dma_wait3A_309 = arith.constant 0 : i32
    %dma_wait3A_310 = arith.constant 0 : i32
    %dma_wait3A_311 = tpu.memref_slice %arg4[%dma_wait3A_294, %dma_wait3A_309, %dma_wait3A_310] : memref<2x32x1024xf32, #tpu.memory_space<vmem>> -> memref<1x32x1024xf32, #tpu.memory_space<vmem>>
    %dma_wait3A_312 = tpu.memref_squeeze %dma_wait3A_311 : memref<1x32x1024xf32, #tpu.memory_space<vmem>> -> memref<32x1024xf32, #tpu.memory_space<vmem>>
    tpu.wait_dma2 semaphore(%dma_wait3A_305 : memref<!tpu.dma_semaphore, #tpu.memory_space<semaphore_mem>>) src(%dma_wait3A_312 : memref<32x1024xf32, #tpu.memory_space<vmem>>) dst(%dma_wait3A_308 : memref<32x1024xf32, #tpu.memory_space<hbm>>)
    return
  }
}

module attributes {stable_mosaic.version = 14 : i64} {
  func.func @body(%arg0: memref<4096x1024xf32, #tpu.memory_space<any>>, %arg1: memref<3x4096x1024xf32, #tpu.memory_space<any>>, %arg2: memref<4096x1024xf32, #tpu.memory_space<vmem>>, %arg3: memref<4x!tpu.dma_semaphore, #tpu.memory_space<semaphore_mem>>, %arg4: memref<4x3x!tpu.dma_semaphore, #tpu.memory_space<semaphore_mem>>) attributes {dimension_semantics = [], scalar_prefetch = 0 : i64, scratch_operands = 3 : i64, tpu.core_type = #tpu.core_type<tc>} {
    %dma_start3A = arith.constant 0 : i32
    %dma_start3A_0 = tpu.memref_slice %arg3[%dma_start3A] : memref<4x!tpu.dma_semaphore, #tpu.memory_space<semaphore_mem>> -> memref<1x!tpu.dma_semaphore, #tpu.memory_space<semaphore_mem>>
    %dma_start3A_1 = tpu.memref_squeeze %dma_start3A_0 : memref<1x!tpu.dma_semaphore, #tpu.memory_space<semaphore_mem>> -> memref<!tpu.dma_semaphore, #tpu.memory_space<semaphore_mem>>
    %dma_start3A_2 = arith.constant 0 : i32
    %dma_start3A_3 = arith.constant 0 : i32
    %dma_start3A_4 = tpu.memref_slice %arg2[%dma_start3A_2, %dma_start3A_3] : memref<4096x1024xf32, #tpu.memory_space<vmem>> -> memref<1024x1024xf32, #tpu.memory_space<vmem>>
    %dma_start3A_5 = arith.constant 0 : i32
    %dma_start3A_6 = arith.constant 0 : i32
    %dma_start3A_7 = tpu.memref_slice %arg0[%dma_start3A_5, %dma_start3A_6] : memref<4096x1024xf32, #tpu.memory_space<any>> -> memref<1024x1024xf32, #tpu.memory_space<any>>
    tpu.enqueue_dma source(%dma_start3A_7 : memref<1024x1024xf32, #tpu.memory_space<any>>) target(%dma_start3A_4 : memref<1024x1024xf32, #tpu.memory_space<vmem>>) target_semaphore(%dma_start3A_1 : memref<!tpu.dma_semaphore, #tpu.memory_space<semaphore_mem>>)
    %dma_start3A_8 = arith.constant 1 : i32
    %dma_start3A_9 = tpu.memref_slice %arg3[%dma_start3A_8] : memref<4x!tpu.dma_semaphore, #tpu.memory_space<semaphore_mem>> -> memref<1x!tpu.dma_semaphore, #tpu.memory_space<semaphore_mem>>
    %dma_start3A_10 = tpu.memref_squeeze %dma_start3A_9 : memref<1x!tpu.dma_semaphore, #tpu.memory_space<semaphore_mem>> -> memref<!tpu.dma_semaphore, #tpu.memory_space<semaphore_mem>>
    %dma_start3A_11 = arith.constant 1024 : i32
    %dma_start3A_12 = arith.constant 0 : i32
    %dma_start3A_13 = tpu.memref_slice %arg2[%dma_start3A_11, %dma_start3A_12] : memref<4096x1024xf32, #tpu.memory_space<vmem>> -> memref<1024x1024xf32, #tpu.memory_space<vmem>>
    %dma_start3A_14 = arith.constant 1024 : i32
    %dma_start3A_15 = arith.constant 0 : i32
    %dma_start3A_16 = tpu.memref_slice %arg0[%dma_start3A_14, %dma_start3A_15] : memref<4096x1024xf32, #tpu.memory_space<any>> -> memref<1024x1024xf32, #tpu.memory_space<any>>
    tpu.enqueue_dma source(%dma_start3A_16 : memref<1024x1024xf32, #tpu.memory_space<any>>) target(%dma_start3A_13 : memref<1024x1024xf32, #tpu.memory_space<vmem>>) target_semaphore(%dma_start3A_10 : memref<!tpu.dma_semaphore, #tpu.memory_space<semaphore_mem>>)
    %dma_start3A_17 = arith.constant 2 : i32
    %dma_start3A_18 = tpu.memref_slice %arg3[%dma_start3A_17] : memref<4x!tpu.dma_semaphore, #tpu.memory_space<semaphore_mem>> -> memref<1x!tpu.dma_semaphore, #tpu.memory_space<semaphore_mem>>
    %dma_start3A_19 = tpu.memref_squeeze %dma_start3A_18 : memref<1x!tpu.dma_semaphore, #tpu.memory_space<semaphore_mem>> -> memref<!tpu.dma_semaphore, #tpu.memory_space<semaphore_mem>>
    %dma_start3A_20 = arith.constant 2048 : i32
    %dma_start3A_21 = arith.constant 0 : i32
    %dma_start3A_22 = tpu.memref_slice %arg2[%dma_start3A_20, %dma_start3A_21] : memref<4096x1024xf32, #tpu.memory_space<vmem>> -> memref<1024x1024xf32, #tpu.memory_space<vmem>>
    %dma_start3A_23 = arith.constant 2048 : i32
    %dma_start3A_24 = arith.constant 0 : i32
    %dma_start3A_25 = tpu.memref_slice %arg0[%dma_start3A_23, %dma_start3A_24] : memref<4096x1024xf32, #tpu.memory_space<any>> -> memref<1024x1024xf32, #tpu.memory_space<any>>
    tpu.enqueue_dma source(%dma_start3A_25 : memref<1024x1024xf32, #tpu.memory_space<any>>) target(%dma_start3A_22 : memref<1024x1024xf32, #tpu.memory_space<vmem>>) target_semaphore(%dma_start3A_19 : memref<!tpu.dma_semaphore, #tpu.memory_space<semaphore_mem>>)
    %dma_start3A_26 = arith.constant 3 : i32
    %dma_start3A_27 = tpu.memref_slice %arg3[%dma_start3A_26] : memref<4x!tpu.dma_semaphore, #tpu.memory_space<semaphore_mem>> -> memref<1x!tpu.dma_semaphore, #tpu.memory_space<semaphore_mem>>
    %dma_start3A_28 = tpu.memref_squeeze %dma_start3A_27 : memref<1x!tpu.dma_semaphore, #tpu.memory_space<semaphore_mem>> -> memref<!tpu.dma_semaphore, #tpu.memory_space<semaphore_mem>>
    %dma_start3A_29 = arith.constant 3072 : i32
    %dma_start3A_30 = arith.constant 0 : i32
    %dma_start3A_31 = tpu.memref_slice %arg2[%dma_start3A_29, %dma_start3A_30] : memref<4096x1024xf32, #tpu.memory_space<vmem>> -> memref<1024x1024xf32, #tpu.memory_space<vmem>>
    %dma_start3A_32 = arith.constant 3072 : i32
    %dma_start3A_33 = arith.constant 0 : i32
    %dma_start3A_34 = tpu.memref_slice %arg0[%dma_start3A_32, %dma_start3A_33] : memref<4096x1024xf32, #tpu.memory_space<any>> -> memref<1024x1024xf32, #tpu.memory_space<any>>
    tpu.enqueue_dma source(%dma_start3A_34 : memref<1024x1024xf32, #tpu.memory_space<any>>) target(%dma_start3A_31 : memref<1024x1024xf32, #tpu.memory_space<vmem>>) target_semaphore(%dma_start3A_28 : memref<!tpu.dma_semaphore, #tpu.memory_space<semaphore_mem>>)
    %dma_wait3A = arith.constant 0 : i32
    %dma_wait3A_35 = tpu.memref_slice %arg3[%dma_wait3A] : memref<4x!tpu.dma_semaphore, #tpu.memory_space<semaphore_mem>> -> memref<1x!tpu.dma_semaphore, #tpu.memory_space<semaphore_mem>>
    %dma_wait3A_36 = tpu.memref_squeeze %dma_wait3A_35 : memref<1x!tpu.dma_semaphore, #tpu.memory_space<semaphore_mem>> -> memref<!tpu.dma_semaphore, #tpu.memory_space<semaphore_mem>>
    %dma_wait3A_37 = arith.constant 0 : i32
    %dma_wait3A_38 = arith.constant 0 : i32
    %dma_wait3A_39 = tpu.memref_slice %arg2[%dma_wait3A_37, %dma_wait3A_38] : memref<4096x1024xf32, #tpu.memory_space<vmem>> -> memref<1024x1024xf32, #tpu.memory_space<vmem>>
    %dma_wait3A_40 = arith.constant 0 : i32
    %dma_wait3A_41 = arith.constant 0 : i32
    %dma_wait3A_42 = tpu.memref_slice %arg0[%dma_wait3A_40, %dma_wait3A_41] : memref<4096x1024xf32, #tpu.memory_space<any>> -> memref<1024x1024xf32, #tpu.memory_space<any>>
    tpu.wait_dma2 semaphore(%dma_wait3A_36 : memref<!tpu.dma_semaphore, #tpu.memory_space<semaphore_mem>>) src(%dma_wait3A_42 : memref<1024x1024xf32, #tpu.memory_space<any>>) dst(%dma_wait3A_39 : memref<1024x1024xf32, #tpu.memory_space<vmem>>)
    %dma_start3A_43 = arith.constant 0 : i32
    %dma_start3A_44 = arith.constant 0 : i32
    %dma_start3A_45 = arith.constant 0 : i32
    %dma_start3A_46 = tpu.memref_slice %arg4[%dma_start3A_44, %dma_start3A_45] : memref<4x3x!tpu.dma_semaphore, #tpu.memory_space<semaphore_mem>> -> memref<1x1x!tpu.dma_semaphore, #tpu.memory_space<semaphore_mem>>
    %dma_start3A_47 = tpu.memref_squeeze %dma_start3A_46 : memref<1x1x!tpu.dma_semaphore, #tpu.memory_space<semaphore_mem>> -> memref<!tpu.dma_semaphore, #tpu.memory_space<semaphore_mem>>
    %dma_start3A_48 = arith.constant 0 : i32
    %dma_start3A_49 = arith.constant 0 : i32
    %dma_start3A_50 = tpu.memref_slice %arg1[%dma_start3A_43, %dma_start3A_48, %dma_start3A_49] : memref<3x4096x1024xf32, #tpu.memory_space<any>> -> memref<1x1024x1024xf32, #tpu.memory_space<any>>
    %dma_start3A_51 = tpu.memref_squeeze %dma_start3A_50 : memref<1x1024x1024xf32, #tpu.memory_space<any>> -> memref<1024x1024xf32, #tpu.memory_space<any>>
    %dma_start3A_52 = arith.constant 0 : i32
    %dma_start3A_53 = arith.constant 0 : i32
    %dma_start3A_54 = tpu.memref_slice %arg2[%dma_start3A_52, %dma_start3A_53] : memref<4096x1024xf32, #tpu.memory_space<vmem>> -> memref<1024x1024xf32, #tpu.memory_space<vmem>>
    tpu.enqueue_dma source(%dma_start3A_54 : memref<1024x1024xf32, #tpu.memory_space<vmem>>) target(%dma_start3A_51 : memref<1024x1024xf32, #tpu.memory_space<any>>) target_semaphore(%dma_start3A_47 : memref<!tpu.dma_semaphore, #tpu.memory_space<semaphore_mem>>)
    %dma_start3A_55 = arith.constant 1 : i32
    %dma_start3A_56 = arith.constant 0 : i32
    %dma_start3A_57 = arith.constant 1 : i32
    %dma_start3A_58 = tpu.memref_slice %arg4[%dma_start3A_56, %dma_start3A_57] : memref<4x3x!tpu.dma_semaphore, #tpu.memory_space<semaphore_mem>> -> memref<1x1x!tpu.dma_semaphore, #tpu.memory_space<semaphore_mem>>
    %dma_start3A_59 = tpu.memref_squeeze %dma_start3A_58 : memref<1x1x!tpu.dma_semaphore, #tpu.memory_space<semaphore_mem>> -> memref<!tpu.dma_semaphore, #tpu.memory_space<semaphore_mem>>
    %dma_start3A_60 = arith.constant 0 : i32
    %dma_start3A_61 = arith.constant 0 : i32
    %dma_start3A_62 = tpu.memref_slice %arg1[%dma_start3A_55, %dma_start3A_60, %dma_start3A_61] : memref<3x4096x1024xf32, #tpu.memory_space<any>> -> memref<1x1024x1024xf32, #tpu.memory_space<any>>
    %dma_start3A_63 = tpu.memref_squeeze %dma_start3A_62 : memref<1x1024x1024xf32, #tpu.memory_space<any>> -> memref<1024x1024xf32, #tpu.memory_space<any>>
    %dma_start3A_64 = arith.constant 0 : i32
    %dma_start3A_65 = arith.constant 0 : i32
    %dma_start3A_66 = tpu.memref_slice %arg2[%dma_start3A_64, %dma_start3A_65] : memref<4096x1024xf32, #tpu.memory_space<vmem>> -> memref<1024x1024xf32, #tpu.memory_space<vmem>>
    tpu.enqueue_dma source(%dma_start3A_66 : memref<1024x1024xf32, #tpu.memory_space<vmem>>) target(%dma_start3A_63 : memref<1024x1024xf32, #tpu.memory_space<any>>) target_semaphore(%dma_start3A_59 : memref<!tpu.dma_semaphore, #tpu.memory_space<semaphore_mem>>)
    %dma_start3A_67 = arith.constant 2 : i32
    %dma_start3A_68 = arith.constant 0 : i32
    %dma_start3A_69 = arith.constant 2 : i32
    %dma_start3A_70 = tpu.memref_slice %arg4[%dma_start3A_68, %dma_start3A_69] : memref<4x3x!tpu.dma_semaphore, #tpu.memory_space<semaphore_mem>> -> memref<1x1x!tpu.dma_semaphore, #tpu.memory_space<semaphore_mem>>
    %dma_start3A_71 = tpu.memref_squeeze %dma_start3A_70 : memref<1x1x!tpu.dma_semaphore, #tpu.memory_space<semaphore_mem>> -> memref<!tpu.dma_semaphore, #tpu.memory_space<semaphore_mem>>
    %dma_start3A_72 = arith.constant 0 : i32
    %dma_start3A_73 = arith.constant 0 : i32
    %dma_start3A_74 = tpu.memref_slice %arg1[%dma_start3A_67, %dma_start3A_72, %dma_start3A_73] : memref<3x4096x1024xf32, #tpu.memory_space<any>> -> memref<1x1024x1024xf32, #tpu.memory_space<any>>
    %dma_start3A_75 = tpu.memref_squeeze %dma_start3A_74 : memref<1x1024x1024xf32, #tpu.memory_space<any>> -> memref<1024x1024xf32, #tpu.memory_space<any>>
    %dma_start3A_76 = arith.constant 0 : i32
    %dma_start3A_77 = arith.constant 0 : i32
    %dma_start3A_78 = tpu.memref_slice %arg2[%dma_start3A_76, %dma_start3A_77] : memref<4096x1024xf32, #tpu.memory_space<vmem>> -> memref<1024x1024xf32, #tpu.memory_space<vmem>>
    tpu.enqueue_dma source(%dma_start3A_78 : memref<1024x1024xf32, #tpu.memory_space<vmem>>) target(%dma_start3A_75 : memref<1024x1024xf32, #tpu.memory_space<any>>) target_semaphore(%dma_start3A_71 : memref<!tpu.dma_semaphore, #tpu.memory_space<semaphore_mem>>)
    %dma_wait3A_79 = arith.constant 1 : i32
    %dma_wait3A_80 = tpu.memref_slice %arg3[%dma_wait3A_79] : memref<4x!tpu.dma_semaphore, #tpu.memory_space<semaphore_mem>> -> memref<1x!tpu.dma_semaphore, #tpu.memory_space<semaphore_mem>>
    %dma_wait3A_81 = tpu.memref_squeeze %dma_wait3A_80 : memref<1x!tpu.dma_semaphore, #tpu.memory_space<semaphore_mem>> -> memref<!tpu.dma_semaphore, #tpu.memory_space<semaphore_mem>>
    %dma_wait3A_82 = arith.constant 1024 : i32
    %dma_wait3A_83 = arith.constant 0 : i32
    %dma_wait3A_84 = tpu.memref_slice %arg2[%dma_wait3A_82, %dma_wait3A_83] : memref<4096x1024xf32, #tpu.memory_space<vmem>> -> memref<1024x1024xf32, #tpu.memory_space<vmem>>
    %dma_wait3A_85 = arith.constant 1024 : i32
    %dma_wait3A_86 = arith.constant 0 : i32
    %dma_wait3A_87 = tpu.memref_slice %arg0[%dma_wait3A_85, %dma_wait3A_86] : memref<4096x1024xf32, #tpu.memory_space<any>> -> memref<1024x1024xf32, #tpu.memory_space<any>>
    tpu.wait_dma2 semaphore(%dma_wait3A_81 : memref<!tpu.dma_semaphore, #tpu.memory_space<semaphore_mem>>) src(%dma_wait3A_87 : memref<1024x1024xf32, #tpu.memory_space<any>>) dst(%dma_wait3A_84 : memref<1024x1024xf32, #tpu.memory_space<vmem>>)
    %dma_start3A_88 = arith.constant 0 : i32
    %dma_start3A_89 = arith.constant 1 : i32
    %dma_start3A_90 = arith.constant 0 : i32
    %dma_start3A_91 = tpu.memref_slice %arg4[%dma_start3A_89, %dma_start3A_90] : memref<4x3x!tpu.dma_semaphore, #tpu.memory_space<semaphore_mem>> -> memref<1x1x!tpu.dma_semaphore, #tpu.memory_space<semaphore_mem>>
    %dma_start3A_92 = tpu.memref_squeeze %dma_start3A_91 : memref<1x1x!tpu.dma_semaphore, #tpu.memory_space<semaphore_mem>> -> memref<!tpu.dma_semaphore, #tpu.memory_space<semaphore_mem>>
    %dma_start3A_93 = arith.constant 1024 : i32
    %dma_start3A_94 = arith.constant 0 : i32
    %dma_start3A_95 = tpu.memref_slice %arg1[%dma_start3A_88, %dma_start3A_93, %dma_start3A_94] : memref<3x4096x1024xf32, #tpu.memory_space<any>> -> memref<1x1024x1024xf32, #tpu.memory_space<any>>
    %dma_start3A_96 = tpu.memref_squeeze %dma_start3A_95 : memref<1x1024x1024xf32, #tpu.memory_space<any>> -> memref<1024x1024xf32, #tpu.memory_space<any>>
    %dma_start3A_97 = arith.constant 1024 : i32
    %dma_start3A_98 = arith.constant 0 : i32
    %dma_start3A_99 = tpu.memref_slice %arg2[%dma_start3A_97, %dma_start3A_98] : memref<4096x1024xf32, #tpu.memory_space<vmem>> -> memref<1024x1024xf32, #tpu.memory_space<vmem>>
    tpu.enqueue_dma source(%dma_start3A_99 : memref<1024x1024xf32, #tpu.memory_space<vmem>>) target(%dma_start3A_96 : memref<1024x1024xf32, #tpu.memory_space<any>>) target_semaphore(%dma_start3A_92 : memref<!tpu.dma_semaphore, #tpu.memory_space<semaphore_mem>>)
    %dma_start3A_100 = arith.constant 1 : i32
    %dma_start3A_101 = arith.constant 1 : i32
    %dma_start3A_102 = arith.constant 1 : i32
    %dma_start3A_103 = tpu.memref_slice %arg4[%dma_start3A_101, %dma_start3A_102] : memref<4x3x!tpu.dma_semaphore, #tpu.memory_space<semaphore_mem>> -> memref<1x1x!tpu.dma_semaphore, #tpu.memory_space<semaphore_mem>>
    %dma_start3A_104 = tpu.memref_squeeze %dma_start3A_103 : memref<1x1x!tpu.dma_semaphore, #tpu.memory_space<semaphore_mem>> -> memref<!tpu.dma_semaphore, #tpu.memory_space<semaphore_mem>>
    %dma_start3A_105 = arith.constant 1024 : i32
    %dma_start3A_106 = arith.constant 0 : i32
    %dma_start3A_107 = tpu.memref_slice %arg1[%dma_start3A_100, %dma_start3A_105, %dma_start3A_106] : memref<3x4096x1024xf32, #tpu.memory_space<any>> -> memref<1x1024x1024xf32, #tpu.memory_space<any>>
    %dma_start3A_108 = tpu.memref_squeeze %dma_start3A_107 : memref<1x1024x1024xf32, #tpu.memory_space<any>> -> memref<1024x1024xf32, #tpu.memory_space<any>>
    %dma_start3A_109 = arith.constant 1024 : i32
    %dma_start3A_110 = arith.constant 0 : i32
    %dma_start3A_111 = tpu.memref_slice %arg2[%dma_start3A_109, %dma_start3A_110] : memref<4096x1024xf32, #tpu.memory_space<vmem>> -> memref<1024x1024xf32, #tpu.memory_space<vmem>>
    tpu.enqueue_dma source(%dma_start3A_111 : memref<1024x1024xf32, #tpu.memory_space<vmem>>) target(%dma_start3A_108 : memref<1024x1024xf32, #tpu.memory_space<any>>) target_semaphore(%dma_start3A_104 : memref<!tpu.dma_semaphore, #tpu.memory_space<semaphore_mem>>)
    %dma_start3A_112 = arith.constant 2 : i32
    %dma_start3A_113 = arith.constant 1 : i32
    %dma_start3A_114 = arith.constant 2 : i32
    %dma_start3A_115 = tpu.memref_slice %arg4[%dma_start3A_113, %dma_start3A_114] : memref<4x3x!tpu.dma_semaphore, #tpu.memory_space<semaphore_mem>> -> memref<1x1x!tpu.dma_semaphore, #tpu.memory_space<semaphore_mem>>
    %dma_start3A_116 = tpu.memref_squeeze %dma_start3A_115 : memref<1x1x!tpu.dma_semaphore, #tpu.memory_space<semaphore_mem>> -> memref<!tpu.dma_semaphore, #tpu.memory_space<semaphore_mem>>
    %dma_start3A_117 = arith.constant 1024 : i32
    %dma_start3A_118 = arith.constant 0 : i32
    %dma_start3A_119 = tpu.memref_slice %arg1[%dma_start3A_112, %dma_start3A_117, %dma_start3A_118] : memref<3x4096x1024xf32, #tpu.memory_space<any>> -> memref<1x1024x1024xf32, #tpu.memory_space<any>>
    %dma_start3A_120 = tpu.memref_squeeze %dma_start3A_119 : memref<1x1024x1024xf32, #tpu.memory_space<any>> -> memref<1024x1024xf32, #tpu.memory_space<any>>
    %dma_start3A_121 = arith.constant 1024 : i32
    %dma_start3A_122 = arith.constant 0 : i32
    %dma_start3A_123 = tpu.memref_slice %arg2[%dma_start3A_121, %dma_start3A_122] : memref<4096x1024xf32, #tpu.memory_space<vmem>> -> memref<1024x1024xf32, #tpu.memory_space<vmem>>
    tpu.enqueue_dma source(%dma_start3A_123 : memref<1024x1024xf32, #tpu.memory_space<vmem>>) target(%dma_start3A_120 : memref<1024x1024xf32, #tpu.memory_space<any>>) target_semaphore(%dma_start3A_116 : memref<!tpu.dma_semaphore, #tpu.memory_space<semaphore_mem>>)
    %dma_wait3A_124 = arith.constant 2 : i32
    %dma_wait3A_125 = tpu.memref_slice %arg3[%dma_wait3A_124] : memref<4x!tpu.dma_semaphore, #tpu.memory_space<semaphore_mem>> -> memref<1x!tpu.dma_semaphore, #tpu.memory_space<semaphore_mem>>
    %dma_wait3A_126 = tpu.memref_squeeze %dma_wait3A_125 : memref<1x!tpu.dma_semaphore, #tpu.memory_space<semaphore_mem>> -> memref<!tpu.dma_semaphore, #tpu.memory_space<semaphore_mem>>
    %dma_wait3A_127 = arith.constant 2048 : i32
    %dma_wait3A_128 = arith.constant 0 : i32
    %dma_wait3A_129 = tpu.memref_slice %arg2[%dma_wait3A_127, %dma_wait3A_128] : memref<4096x1024xf32, #tpu.memory_space<vmem>> -> memref<1024x1024xf32, #tpu.memory_space<vmem>>
    %dma_wait3A_130 = arith.constant 2048 : i32
    %dma_wait3A_131 = arith.constant 0 : i32
    %dma_wait3A_132 = tpu.memref_slice %arg0[%dma_wait3A_130, %dma_wait3A_131] : memref<4096x1024xf32, #tpu.memory_space<any>> -> memref<1024x1024xf32, #tpu.memory_space<any>>
    tpu.wait_dma2 semaphore(%dma_wait3A_126 : memref<!tpu.dma_semaphore, #tpu.memory_space<semaphore_mem>>) src(%dma_wait3A_132 : memref<1024x1024xf32, #tpu.memory_space<any>>) dst(%dma_wait3A_129 : memref<1024x1024xf32, #tpu.memory_space<vmem>>)
    %dma_start3A_133 = arith.constant 0 : i32
    %dma_start3A_134 = arith.constant 2 : i32
    %dma_start3A_135 = arith.constant 0 : i32
    %dma_start3A_136 = tpu.memref_slice %arg4[%dma_start3A_134, %dma_start3A_135] : memref<4x3x!tpu.dma_semaphore, #tpu.memory_space<semaphore_mem>> -> memref<1x1x!tpu.dma_semaphore, #tpu.memory_space<semaphore_mem>>
    %dma_start3A_137 = tpu.memref_squeeze %dma_start3A_136 : memref<1x1x!tpu.dma_semaphore, #tpu.memory_space<semaphore_mem>> -> memref<!tpu.dma_semaphore, #tpu.memory_space<semaphore_mem>>
    %dma_start3A_138 = arith.constant 2048 : i32
    %dma_start3A_139 = arith.constant 0 : i32
    %dma_start3A_140 = tpu.memref_slice %arg1[%dma_start3A_133, %dma_start3A_138, %dma_start3A_139] : memref<3x4096x1024xf32, #tpu.memory_space<any>> -> memref<1x1024x1024xf32, #tpu.memory_space<any>>
    %dma_start3A_141 = tpu.memref_squeeze %dma_start3A_140 : memref<1x1024x1024xf32, #tpu.memory_space<any>> -> memref<1024x1024xf32, #tpu.memory_space<any>>
    %dma_start3A_142 = arith.constant 2048 : i32
    %dma_start3A_143 = arith.constant 0 : i32
    %dma_start3A_144 = tpu.memref_slice %arg2[%dma_start3A_142, %dma_start3A_143] : memref<4096x1024xf32, #tpu.memory_space<vmem>> -> memref<1024x1024xf32, #tpu.memory_space<vmem>>
    tpu.enqueue_dma source(%dma_start3A_144 : memref<1024x1024xf32, #tpu.memory_space<vmem>>) target(%dma_start3A_141 : memref<1024x1024xf32, #tpu.memory_space<any>>) target_semaphore(%dma_start3A_137 : memref<!tpu.dma_semaphore, #tpu.memory_space<semaphore_mem>>)
    %dma_start3A_145 = arith.constant 1 : i32
    %dma_start3A_146 = arith.constant 2 : i32
    %dma_start3A_147 = arith.constant 1 : i32
    %dma_start3A_148 = tpu.memref_slice %arg4[%dma_start3A_146, %dma_start3A_147] : memref<4x3x!tpu.dma_semaphore, #tpu.memory_space<semaphore_mem>> -> memref<1x1x!tpu.dma_semaphore, #tpu.memory_space<semaphore_mem>>
    %dma_start3A_149 = tpu.memref_squeeze %dma_start3A_148 : memref<1x1x!tpu.dma_semaphore, #tpu.memory_space<semaphore_mem>> -> memref<!tpu.dma_semaphore, #tpu.memory_space<semaphore_mem>>
    %dma_start3A_150 = arith.constant 2048 : i32
    %dma_start3A_151 = arith.constant 0 : i32
    %dma_start3A_152 = tpu.memref_slice %arg1[%dma_start3A_145, %dma_start3A_150, %dma_start3A_151] : memref<3x4096x1024xf32, #tpu.memory_space<any>> -> memref<1x1024x1024xf32, #tpu.memory_space<any>>
    %dma_start3A_153 = tpu.memref_squeeze %dma_start3A_152 : memref<1x1024x1024xf32, #tpu.memory_space<any>> -> memref<1024x1024xf32, #tpu.memory_space<any>>
    %dma_start3A_154 = arith.constant 2048 : i32
    %dma_start3A_155 = arith.constant 0 : i32
    %dma_start3A_156 = tpu.memref_slice %arg2[%dma_start3A_154, %dma_start3A_155] : memref<4096x1024xf32, #tpu.memory_space<vmem>> -> memref<1024x1024xf32, #tpu.memory_space<vmem>>
    tpu.enqueue_dma source(%dma_start3A_156 : memref<1024x1024xf32, #tpu.memory_space<vmem>>) target(%dma_start3A_153 : memref<1024x1024xf32, #tpu.memory_space<any>>) target_semaphore(%dma_start3A_149 : memref<!tpu.dma_semaphore, #tpu.memory_space<semaphore_mem>>)
    %dma_start3A_157 = arith.constant 2 : i32
    %dma_start3A_158 = arith.constant 2 : i32
    %dma_start3A_159 = arith.constant 2 : i32
    %dma_start3A_160 = tpu.memref_slice %arg4[%dma_start3A_158, %dma_start3A_159] : memref<4x3x!tpu.dma_semaphore, #tpu.memory_space<semaphore_mem>> -> memref<1x1x!tpu.dma_semaphore, #tpu.memory_space<semaphore_mem>>
    %dma_start3A_161 = tpu.memref_squeeze %dma_start3A_160 : memref<1x1x!tpu.dma_semaphore, #tpu.memory_space<semaphore_mem>> -> memref<!tpu.dma_semaphore, #tpu.memory_space<semaphore_mem>>
    %dma_start3A_162 = arith.constant 2048 : i32
    %dma_start3A_163 = arith.constant 0 : i32
    %dma_start3A_164 = tpu.memref_slice %arg1[%dma_start3A_157, %dma_start3A_162, %dma_start3A_163] : memref<3x4096x1024xf32, #tpu.memory_space<any>> -> memref<1x1024x1024xf32, #tpu.memory_space<any>>
    %dma_start3A_165 = tpu.memref_squeeze %dma_start3A_164 : memref<1x1024x1024xf32, #tpu.memory_space<any>> -> memref<1024x1024xf32, #tpu.memory_space<any>>
    %dma_start3A_166 = arith.constant 2048 : i32
    %dma_start3A_167 = arith.constant 0 : i32
    %dma_start3A_168 = tpu.memref_slice %arg2[%dma_start3A_166, %dma_start3A_167] : memref<4096x1024xf32, #tpu.memory_space<vmem>> -> memref<1024x1024xf32, #tpu.memory_space<vmem>>
    tpu.enqueue_dma source(%dma_start3A_168 : memref<1024x1024xf32, #tpu.memory_space<vmem>>) target(%dma_start3A_165 : memref<1024x1024xf32, #tpu.memory_space<any>>) target_semaphore(%dma_start3A_161 : memref<!tpu.dma_semaphore, #tpu.memory_space<semaphore_mem>>)
    %dma_wait3A_169 = arith.constant 3 : i32
    %dma_wait3A_170 = tpu.memref_slice %arg3[%dma_wait3A_169] : memref<4x!tpu.dma_semaphore, #tpu.memory_space<semaphore_mem>> -> memref<1x!tpu.dma_semaphore, #tpu.memory_space<semaphore_mem>>
    %dma_wait3A_171 = tpu.memref_squeeze %dma_wait3A_170 : memref<1x!tpu.dma_semaphore, #tpu.memory_space<semaphore_mem>> -> memref<!tpu.dma_semaphore, #tpu.memory_space<semaphore_mem>>
    %dma_wait3A_172 = arith.constant 3072 : i32
    %dma_wait3A_173 = arith.constant 0 : i32
    %dma_wait3A_174 = tpu.memref_slice %arg2[%dma_wait3A_172, %dma_wait3A_173] : memref<4096x1024xf32, #tpu.memory_space<vmem>> -> memref<1024x1024xf32, #tpu.memory_space<vmem>>
    %dma_wait3A_175 = arith.constant 3072 : i32
    %dma_wait3A_176 = arith.constant 0 : i32
    %dma_wait3A_177 = tpu.memref_slice %arg0[%dma_wait3A_175, %dma_wait3A_176] : memref<4096x1024xf32, #tpu.memory_space<any>> -> memref<1024x1024xf32, #tpu.memory_space<any>>
    tpu.wait_dma2 semaphore(%dma_wait3A_171 : memref<!tpu.dma_semaphore, #tpu.memory_space<semaphore_mem>>) src(%dma_wait3A_177 : memref<1024x1024xf32, #tpu.memory_space<any>>) dst(%dma_wait3A_174 : memref<1024x1024xf32, #tpu.memory_space<vmem>>)
    %dma_start3A_178 = arith.constant 0 : i32
    %dma_start3A_179 = arith.constant 3 : i32
    %dma_start3A_180 = arith.constant 0 : i32
    %dma_start3A_181 = tpu.memref_slice %arg4[%dma_start3A_179, %dma_start3A_180] : memref<4x3x!tpu.dma_semaphore, #tpu.memory_space<semaphore_mem>> -> memref<1x1x!tpu.dma_semaphore, #tpu.memory_space<semaphore_mem>>
    %dma_start3A_182 = tpu.memref_squeeze %dma_start3A_181 : memref<1x1x!tpu.dma_semaphore, #tpu.memory_space<semaphore_mem>> -> memref<!tpu.dma_semaphore, #tpu.memory_space<semaphore_mem>>
    %dma_start3A_183 = arith.constant 3072 : i32
    %dma_start3A_184 = arith.constant 0 : i32
    %dma_start3A_185 = tpu.memref_slice %arg1[%dma_start3A_178, %dma_start3A_183, %dma_start3A_184] : memref<3x4096x1024xf32, #tpu.memory_space<any>> -> memref<1x1024x1024xf32, #tpu.memory_space<any>>
    %dma_start3A_186 = tpu.memref_squeeze %dma_start3A_185 : memref<1x1024x1024xf32, #tpu.memory_space<any>> -> memref<1024x1024xf32, #tpu.memory_space<any>>
    %dma_start3A_187 = arith.constant 3072 : i32
    %dma_start3A_188 = arith.constant 0 : i32
    %dma_start3A_189 = tpu.memref_slice %arg2[%dma_start3A_187, %dma_start3A_188] : memref<4096x1024xf32, #tpu.memory_space<vmem>> -> memref<1024x1024xf32, #tpu.memory_space<vmem>>
    tpu.enqueue_dma source(%dma_start3A_189 : memref<1024x1024xf32, #tpu.memory_space<vmem>>) target(%dma_start3A_186 : memref<1024x1024xf32, #tpu.memory_space<any>>) target_semaphore(%dma_start3A_182 : memref<!tpu.dma_semaphore, #tpu.memory_space<semaphore_mem>>)
    %dma_start3A_190 = arith.constant 1 : i32
    %dma_start3A_191 = arith.constant 3 : i32
    %dma_start3A_192 = arith.constant 1 : i32
    %dma_start3A_193 = tpu.memref_slice %arg4[%dma_start3A_191, %dma_start3A_192] : memref<4x3x!tpu.dma_semaphore, #tpu.memory_space<semaphore_mem>> -> memref<1x1x!tpu.dma_semaphore, #tpu.memory_space<semaphore_mem>>
    %dma_start3A_194 = tpu.memref_squeeze %dma_start3A_193 : memref<1x1x!tpu.dma_semaphore, #tpu.memory_space<semaphore_mem>> -> memref<!tpu.dma_semaphore, #tpu.memory_space<semaphore_mem>>
    %dma_start3A_195 = arith.constant 3072 : i32
    %dma_start3A_196 = arith.constant 0 : i32
    %dma_start3A_197 = tpu.memref_slice %arg1[%dma_start3A_190, %dma_start3A_195, %dma_start3A_196] : memref<3x4096x1024xf32, #tpu.memory_space<any>> -> memref<1x1024x1024xf32, #tpu.memory_space<any>>
    %dma_start3A_198 = tpu.memref_squeeze %dma_start3A_197 : memref<1x1024x1024xf32, #tpu.memory_space<any>> -> memref<1024x1024xf32, #tpu.memory_space<any>>
    %dma_start3A_199 = arith.constant 3072 : i32
    %dma_start3A_200 = arith.constant 0 : i32
    %dma_start3A_201 = tpu.memref_slice %arg2[%dma_start3A_199, %dma_start3A_200] : memref<4096x1024xf32, #tpu.memory_space<vmem>> -> memref<1024x1024xf32, #tpu.memory_space<vmem>>
    tpu.enqueue_dma source(%dma_start3A_201 : memref<1024x1024xf32, #tpu.memory_space<vmem>>) target(%dma_start3A_198 : memref<1024x1024xf32, #tpu.memory_space<any>>) target_semaphore(%dma_start3A_194 : memref<!tpu.dma_semaphore, #tpu.memory_space<semaphore_mem>>)
    %dma_start3A_202 = arith.constant 2 : i32
    %dma_start3A_203 = arith.constant 3 : i32
    %dma_start3A_204 = arith.constant 2 : i32
    %dma_start3A_205 = tpu.memref_slice %arg4[%dma_start3A_203, %dma_start3A_204] : memref<4x3x!tpu.dma_semaphore, #tpu.memory_space<semaphore_mem>> -> memref<1x1x!tpu.dma_semaphore, #tpu.memory_space<semaphore_mem>>
    %dma_start3A_206 = tpu.memref_squeeze %dma_start3A_205 : memref<1x1x!tpu.dma_semaphore, #tpu.memory_space<semaphore_mem>> -> memref<!tpu.dma_semaphore, #tpu.memory_space<semaphore_mem>>
    %dma_start3A_207 = arith.constant 3072 : i32
    %dma_start3A_208 = arith.constant 0 : i32
    %dma_start3A_209 = tpu.memref_slice %arg1[%dma_start3A_202, %dma_start3A_207, %dma_start3A_208] : memref<3x4096x1024xf32, #tpu.memory_space<any>> -> memref<1x1024x1024xf32, #tpu.memory_space<any>>
    %dma_start3A_210 = tpu.memref_squeeze %dma_start3A_209 : memref<1x1024x1024xf32, #tpu.memory_space<any>> -> memref<1024x1024xf32, #tpu.memory_space<any>>
    %dma_start3A_211 = arith.constant 3072 : i32
    %dma_start3A_212 = arith.constant 0 : i32
    %dma_start3A_213 = tpu.memref_slice %arg2[%dma_start3A_211, %dma_start3A_212] : memref<4096x1024xf32, #tpu.memory_space<vmem>> -> memref<1024x1024xf32, #tpu.memory_space<vmem>>
    tpu.enqueue_dma source(%dma_start3A_213 : memref<1024x1024xf32, #tpu.memory_space<vmem>>) target(%dma_start3A_210 : memref<1024x1024xf32, #tpu.memory_space<any>>) target_semaphore(%dma_start3A_206 : memref<!tpu.dma_semaphore, #tpu.memory_space<semaphore_mem>>)
    %dma_wait3A_214 = arith.constant 0 : i32
    %dma_wait3A_215 = arith.constant 0 : i32
    %dma_wait3A_216 = arith.constant 0 : i32
    %dma_wait3A_217 = tpu.memref_slice %arg4[%dma_wait3A_215, %dma_wait3A_216] : memref<4x3x!tpu.dma_semaphore, #tpu.memory_space<semaphore_mem>> -> memref<1x1x!tpu.dma_semaphore, #tpu.memory_space<semaphore_mem>>
    %dma_wait3A_218 = tpu.memref_squeeze %dma_wait3A_217 : memref<1x1x!tpu.dma_semaphore, #tpu.memory_space<semaphore_mem>> -> memref<!tpu.dma_semaphore, #tpu.memory_space<semaphore_mem>>
    %dma_wait3A_219 = arith.constant 0 : i32
    %dma_wait3A_220 = arith.constant 0 : i32
    %dma_wait3A_221 = tpu.memref_slice %arg1[%dma_wait3A_214, %dma_wait3A_219, %dma_wait3A_220] : memref<3x4096x1024xf32, #tpu.memory_space<any>> -> memref<1x1024x1024xf32, #tpu.memory_space<any>>
    %dma_wait3A_222 = tpu.memref_squeeze %dma_wait3A_221 : memref<1x1024x1024xf32, #tpu.memory_space<any>> -> memref<1024x1024xf32, #tpu.memory_space<any>>
    %dma_wait3A_223 = arith.constant 0 : i32
    %dma_wait3A_224 = arith.constant 0 : i32
    %dma_wait3A_225 = tpu.memref_slice %arg2[%dma_wait3A_223, %dma_wait3A_224] : memref<4096x1024xf32, #tpu.memory_space<vmem>> -> memref<1024x1024xf32, #tpu.memory_space<vmem>>
    tpu.wait_dma2 semaphore(%dma_wait3A_218 : memref<!tpu.dma_semaphore, #tpu.memory_space<semaphore_mem>>) src(%dma_wait3A_225 : memref<1024x1024xf32, #tpu.memory_space<vmem>>) dst(%dma_wait3A_222 : memref<1024x1024xf32, #tpu.memory_space<any>>)
    %dma_wait3A_226 = arith.constant 1 : i32
    %dma_wait3A_227 = arith.constant 0 : i32
    %dma_wait3A_228 = arith.constant 1 : i32
    %dma_wait3A_229 = tpu.memref_slice %arg4[%dma_wait3A_227, %dma_wait3A_228] : memref<4x3x!tpu.dma_semaphore, #tpu.memory_space<semaphore_mem>> -> memref<1x1x!tpu.dma_semaphore, #tpu.memory_space<semaphore_mem>>
    %dma_wait3A_230 = tpu.memref_squeeze %dma_wait3A_229 : memref<1x1x!tpu.dma_semaphore, #tpu.memory_space<semaphore_mem>> -> memref<!tpu.dma_semaphore, #tpu.memory_space<semaphore_mem>>
    %dma_wait3A_231 = arith.constant 0 : i32
    %dma_wait3A_232 = arith.constant 0 : i32
    %dma_wait3A_233 = tpu.memref_slice %arg1[%dma_wait3A_226, %dma_wait3A_231, %dma_wait3A_232] : memref<3x4096x1024xf32, #tpu.memory_space<any>> -> memref<1x1024x1024xf32, #tpu.memory_space<any>>
    %dma_wait3A_234 = tpu.memref_squeeze %dma_wait3A_233 : memref<1x1024x1024xf32, #tpu.memory_space<any>> -> memref<1024x1024xf32, #tpu.memory_space<any>>
    %dma_wait3A_235 = arith.constant 0 : i32
    %dma_wait3A_236 = arith.constant 0 : i32
    %dma_wait3A_237 = tpu.memref_slice %arg2[%dma_wait3A_235, %dma_wait3A_236] : memref<4096x1024xf32, #tpu.memory_space<vmem>> -> memref<1024x1024xf32, #tpu.memory_space<vmem>>
    tpu.wait_dma2 semaphore(%dma_wait3A_230 : memref<!tpu.dma_semaphore, #tpu.memory_space<semaphore_mem>>) src(%dma_wait3A_237 : memref<1024x1024xf32, #tpu.memory_space<vmem>>) dst(%dma_wait3A_234 : memref<1024x1024xf32, #tpu.memory_space<any>>)
    %dma_wait3A_238 = arith.constant 2 : i32
    %dma_wait3A_239 = arith.constant 0 : i32
    %dma_wait3A_240 = arith.constant 2 : i32
    %dma_wait3A_241 = tpu.memref_slice %arg4[%dma_wait3A_239, %dma_wait3A_240] : memref<4x3x!tpu.dma_semaphore, #tpu.memory_space<semaphore_mem>> -> memref<1x1x!tpu.dma_semaphore, #tpu.memory_space<semaphore_mem>>
    %dma_wait3A_242 = tpu.memref_squeeze %dma_wait3A_241 : memref<1x1x!tpu.dma_semaphore, #tpu.memory_space<semaphore_mem>> -> memref<!tpu.dma_semaphore, #tpu.memory_space<semaphore_mem>>
    %dma_wait3A_243 = arith.constant 0 : i32
    %dma_wait3A_244 = arith.constant 0 : i32
    %dma_wait3A_245 = tpu.memref_slice %arg1[%dma_wait3A_238, %dma_wait3A_243, %dma_wait3A_244] : memref<3x4096x1024xf32, #tpu.memory_space<any>> -> memref<1x1024x1024xf32, #tpu.memory_space<any>>
    %dma_wait3A_246 = tpu.memref_squeeze %dma_wait3A_245 : memref<1x1024x1024xf32, #tpu.memory_space<any>> -> memref<1024x1024xf32, #tpu.memory_space<any>>
    %dma_wait3A_247 = arith.constant 0 : i32
    %dma_wait3A_248 = arith.constant 0 : i32
    %dma_wait3A_249 = tpu.memref_slice %arg2[%dma_wait3A_247, %dma_wait3A_248] : memref<4096x1024xf32, #tpu.memory_space<vmem>> -> memref<1024x1024xf32, #tpu.memory_space<vmem>>
    tpu.wait_dma2 semaphore(%dma_wait3A_242 : memref<!tpu.dma_semaphore, #tpu.memory_space<semaphore_mem>>) src(%dma_wait3A_249 : memref<1024x1024xf32, #tpu.memory_space<vmem>>) dst(%dma_wait3A_246 : memref<1024x1024xf32, #tpu.memory_space<any>>)
    %dma_wait3A_250 = arith.constant 0 : i32
    %dma_wait3A_251 = arith.constant 1 : i32
    %dma_wait3A_252 = arith.constant 0 : i32
    %dma_wait3A_253 = tpu.memref_slice %arg4[%dma_wait3A_251, %dma_wait3A_252] : memref<4x3x!tpu.dma_semaphore, #tpu.memory_space<semaphore_mem>> -> memref<1x1x!tpu.dma_semaphore, #tpu.memory_space<semaphore_mem>>
    %dma_wait3A_254 = tpu.memref_squeeze %dma_wait3A_253 : memref<1x1x!tpu.dma_semaphore, #tpu.memory_space<semaphore_mem>> -> memref<!tpu.dma_semaphore, #tpu.memory_space<semaphore_mem>>
    %dma_wait3A_255 = arith.constant 1024 : i32
    %dma_wait3A_256 = arith.constant 0 : i32
    %dma_wait3A_257 = tpu.memref_slice %arg1[%dma_wait3A_250, %dma_wait3A_255, %dma_wait3A_256] : memref<3x4096x1024xf32, #tpu.memory_space<any>> -> memref<1x1024x1024xf32, #tpu.memory_space<any>>
    %dma_wait3A_258 = tpu.memref_squeeze %dma_wait3A_257 : memref<1x1024x1024xf32, #tpu.memory_space<any>> -> memref<1024x1024xf32, #tpu.memory_space<any>>
    %dma_wait3A_259 = arith.constant 1024 : i32
    %dma_wait3A_260 = arith.constant 0 : i32
    %dma_wait3A_261 = tpu.memref_slice %arg2[%dma_wait3A_259, %dma_wait3A_260] : memref<4096x1024xf32, #tpu.memory_space<vmem>> -> memref<1024x1024xf32, #tpu.memory_space<vmem>>
    tpu.wait_dma2 semaphore(%dma_wait3A_254 : memref<!tpu.dma_semaphore, #tpu.memory_space<semaphore_mem>>) src(%dma_wait3A_261 : memref<1024x1024xf32, #tpu.memory_space<vmem>>) dst(%dma_wait3A_258 : memref<1024x1024xf32, #tpu.memory_space<any>>)
    %dma_wait3A_262 = arith.constant 1 : i32
    %dma_wait3A_263 = arith.constant 1 : i32
    %dma_wait3A_264 = arith.constant 1 : i32
    %dma_wait3A_265 = tpu.memref_slice %arg4[%dma_wait3A_263, %dma_wait3A_264] : memref<4x3x!tpu.dma_semaphore, #tpu.memory_space<semaphore_mem>> -> memref<1x1x!tpu.dma_semaphore, #tpu.memory_space<semaphore_mem>>
    %dma_wait3A_266 = tpu.memref_squeeze %dma_wait3A_265 : memref<1x1x!tpu.dma_semaphore, #tpu.memory_space<semaphore_mem>> -> memref<!tpu.dma_semaphore, #tpu.memory_space<semaphore_mem>>
    %dma_wait3A_267 = arith.constant 1024 : i32
    %dma_wait3A_268 = arith.constant 0 : i32
    %dma_wait3A_269 = tpu.memref_slice %arg1[%dma_wait3A_262, %dma_wait3A_267, %dma_wait3A_268] : memref<3x4096x1024xf32, #tpu.memory_space<any>> -> memref<1x1024x1024xf32, #tpu.memory_space<any>>
    %dma_wait3A_270 = tpu.memref_squeeze %dma_wait3A_269 : memref<1x1024x1024xf32, #tpu.memory_space<any>> -> memref<1024x1024xf32, #tpu.memory_space<any>>
    %dma_wait3A_271 = arith.constant 1024 : i32
    %dma_wait3A_272 = arith.constant 0 : i32
    %dma_wait3A_273 = tpu.memref_slice %arg2[%dma_wait3A_271, %dma_wait3A_272] : memref<4096x1024xf32, #tpu.memory_space<vmem>> -> memref<1024x1024xf32, #tpu.memory_space<vmem>>
    tpu.wait_dma2 semaphore(%dma_wait3A_266 : memref<!tpu.dma_semaphore, #tpu.memory_space<semaphore_mem>>) src(%dma_wait3A_273 : memref<1024x1024xf32, #tpu.memory_space<vmem>>) dst(%dma_wait3A_270 : memref<1024x1024xf32, #tpu.memory_space<any>>)
    %dma_wait3A_274 = arith.constant 2 : i32
    %dma_wait3A_275 = arith.constant 1 : i32
    %dma_wait3A_276 = arith.constant 2 : i32
    %dma_wait3A_277 = tpu.memref_slice %arg4[%dma_wait3A_275, %dma_wait3A_276] : memref<4x3x!tpu.dma_semaphore, #tpu.memory_space<semaphore_mem>> -> memref<1x1x!tpu.dma_semaphore, #tpu.memory_space<semaphore_mem>>
    %dma_wait3A_278 = tpu.memref_squeeze %dma_wait3A_277 : memref<1x1x!tpu.dma_semaphore, #tpu.memory_space<semaphore_mem>> -> memref<!tpu.dma_semaphore, #tpu.memory_space<semaphore_mem>>
    %dma_wait3A_279 = arith.constant 1024 : i32
    %dma_wait3A_280 = arith.constant 0 : i32
    %dma_wait3A_281 = tpu.memref_slice %arg1[%dma_wait3A_274, %dma_wait3A_279, %dma_wait3A_280] : memref<3x4096x1024xf32, #tpu.memory_space<any>> -> memref<1x1024x1024xf32, #tpu.memory_space<any>>
    %dma_wait3A_282 = tpu.memref_squeeze %dma_wait3A_281 : memref<1x1024x1024xf32, #tpu.memory_space<any>> -> memref<1024x1024xf32, #tpu.memory_space<any>>
    %dma_wait3A_283 = arith.constant 1024 : i32
    %dma_wait3A_284 = arith.constant 0 : i32
    %dma_wait3A_285 = tpu.memref_slice %arg2[%dma_wait3A_283, %dma_wait3A_284] : memref<4096x1024xf32, #tpu.memory_space<vmem>> -> memref<1024x1024xf32, #tpu.memory_space<vmem>>
    tpu.wait_dma2 semaphore(%dma_wait3A_278 : memref<!tpu.dma_semaphore, #tpu.memory_space<semaphore_mem>>) src(%dma_wait3A_285 : memref<1024x1024xf32, #tpu.memory_space<vmem>>) dst(%dma_wait3A_282 : memref<1024x1024xf32, #tpu.memory_space<any>>)
    %dma_wait3A_286 = arith.constant 0 : i32
    %dma_wait3A_287 = arith.constant 2 : i32
    %dma_wait3A_288 = arith.constant 0 : i32
    %dma_wait3A_289 = tpu.memref_slice %arg4[%dma_wait3A_287, %dma_wait3A_288] : memref<4x3x!tpu.dma_semaphore, #tpu.memory_space<semaphore_mem>> -> memref<1x1x!tpu.dma_semaphore, #tpu.memory_space<semaphore_mem>>
    %dma_wait3A_290 = tpu.memref_squeeze %dma_wait3A_289 : memref<1x1x!tpu.dma_semaphore, #tpu.memory_space<semaphore_mem>> -> memref<!tpu.dma_semaphore, #tpu.memory_space<semaphore_mem>>
    %dma_wait3A_291 = arith.constant 2048 : i32
    %dma_wait3A_292 = arith.constant 0 : i32
    %dma_wait3A_293 = tpu.memref_slice %arg1[%dma_wait3A_286, %dma_wait3A_291, %dma_wait3A_292] : memref<3x4096x1024xf32, #tpu.memory_space<any>> -> memref<1x1024x1024xf32, #tpu.memory_space<any>>
    %dma_wait3A_294 = tpu.memref_squeeze %dma_wait3A_293 : memref<1x1024x1024xf32, #tpu.memory_space<any>> -> memref<1024x1024xf32, #tpu.memory_space<any>>
    %dma_wait3A_295 = arith.constant 2048 : i32
    %dma_wait3A_296 = arith.constant 0 : i32
    %dma_wait3A_297 = tpu.memref_slice %arg2[%dma_wait3A_295, %dma_wait3A_296] : memref<4096x1024xf32, #tpu.memory_space<vmem>> -> memref<1024x1024xf32, #tpu.memory_space<vmem>>
    tpu.wait_dma2 semaphore(%dma_wait3A_290 : memref<!tpu.dma_semaphore, #tpu.memory_space<semaphore_mem>>) src(%dma_wait3A_297 : memref<1024x1024xf32, #tpu.memory_space<vmem>>) dst(%dma_wait3A_294 : memref<1024x1024xf32, #tpu.memory_space<any>>)
    %dma_wait3A_298 = arith.constant 1 : i32
    %dma_wait3A_299 = arith.constant 2 : i32
    %dma_wait3A_300 = arith.constant 1 : i32
    %dma_wait3A_301 = tpu.memref_slice %arg4[%dma_wait3A_299, %dma_wait3A_300] : memref<4x3x!tpu.dma_semaphore, #tpu.memory_space<semaphore_mem>> -> memref<1x1x!tpu.dma_semaphore, #tpu.memory_space<semaphore_mem>>
    %dma_wait3A_302 = tpu.memref_squeeze %dma_wait3A_301 : memref<1x1x!tpu.dma_semaphore, #tpu.memory_space<semaphore_mem>> -> memref<!tpu.dma_semaphore, #tpu.memory_space<semaphore_mem>>
    %dma_wait3A_303 = arith.constant 2048 : i32
    %dma_wait3A_304 = arith.constant 0 : i32
    %dma_wait3A_305 = tpu.memref_slice %arg1[%dma_wait3A_298, %dma_wait3A_303, %dma_wait3A_304] : memref<3x4096x1024xf32, #tpu.memory_space<any>> -> memref<1x1024x1024xf32, #tpu.memory_space<any>>
    %dma_wait3A_306 = tpu.memref_squeeze %dma_wait3A_305 : memref<1x1024x1024xf32, #tpu.memory_space<any>> -> memref<1024x1024xf32, #tpu.memory_space<any>>
    %dma_wait3A_307 = arith.constant 2048 : i32
    %dma_wait3A_308 = arith.constant 0 : i32
    %dma_wait3A_309 = tpu.memref_slice %arg2[%dma_wait3A_307, %dma_wait3A_308] : memref<4096x1024xf32, #tpu.memory_space<vmem>> -> memref<1024x1024xf32, #tpu.memory_space<vmem>>
    tpu.wait_dma2 semaphore(%dma_wait3A_302 : memref<!tpu.dma_semaphore, #tpu.memory_space<semaphore_mem>>) src(%dma_wait3A_309 : memref<1024x1024xf32, #tpu.memory_space<vmem>>) dst(%dma_wait3A_306 : memref<1024x1024xf32, #tpu.memory_space<any>>)
    %dma_wait3A_310 = arith.constant 2 : i32
    %dma_wait3A_311 = arith.constant 2 : i32
    %dma_wait3A_312 = arith.constant 2 : i32
    %dma_wait3A_313 = tpu.memref_slice %arg4[%dma_wait3A_311, %dma_wait3A_312] : memref<4x3x!tpu.dma_semaphore, #tpu.memory_space<semaphore_mem>> -> memref<1x1x!tpu.dma_semaphore, #tpu.memory_space<semaphore_mem>>
    %dma_wait3A_314 = tpu.memref_squeeze %dma_wait3A_313 : memref<1x1x!tpu.dma_semaphore, #tpu.memory_space<semaphore_mem>> -> memref<!tpu.dma_semaphore, #tpu.memory_space<semaphore_mem>>
    %dma_wait3A_315 = arith.constant 2048 : i32
    %dma_wait3A_316 = arith.constant 0 : i32
    %dma_wait3A_317 = tpu.memref_slice %arg1[%dma_wait3A_310, %dma_wait3A_315, %dma_wait3A_316] : memref<3x4096x1024xf32, #tpu.memory_space<any>> -> memref<1x1024x1024xf32, #tpu.memory_space<any>>
    %dma_wait3A_318 = tpu.memref_squeeze %dma_wait3A_317 : memref<1x1024x1024xf32, #tpu.memory_space<any>> -> memref<1024x1024xf32, #tpu.memory_space<any>>
    %dma_wait3A_319 = arith.constant 2048 : i32
    %dma_wait3A_320 = arith.constant 0 : i32
    %dma_wait3A_321 = tpu.memref_slice %arg2[%dma_wait3A_319, %dma_wait3A_320] : memref<4096x1024xf32, #tpu.memory_space<vmem>> -> memref<1024x1024xf32, #tpu.memory_space<vmem>>
    tpu.wait_dma2 semaphore(%dma_wait3A_314 : memref<!tpu.dma_semaphore, #tpu.memory_space<semaphore_mem>>) src(%dma_wait3A_321 : memref<1024x1024xf32, #tpu.memory_space<vmem>>) dst(%dma_wait3A_318 : memref<1024x1024xf32, #tpu.memory_space<any>>)
    %dma_wait3A_322 = arith.constant 0 : i32
    %dma_wait3A_323 = arith.constant 3 : i32
    %dma_wait3A_324 = arith.constant 0 : i32
    %dma_wait3A_325 = tpu.memref_slice %arg4[%dma_wait3A_323, %dma_wait3A_324] : memref<4x3x!tpu.dma_semaphore, #tpu.memory_space<semaphore_mem>> -> memref<1x1x!tpu.dma_semaphore, #tpu.memory_space<semaphore_mem>>
    %dma_wait3A_326 = tpu.memref_squeeze %dma_wait3A_325 : memref<1x1x!tpu.dma_semaphore, #tpu.memory_space<semaphore_mem>> -> memref<!tpu.dma_semaphore, #tpu.memory_space<semaphore_mem>>
    %dma_wait3A_327 = arith.constant 3072 : i32
    %dma_wait3A_328 = arith.constant 0 : i32
    %dma_wait3A_329 = tpu.memref_slice %arg1[%dma_wait3A_322, %dma_wait3A_327, %dma_wait3A_328] : memref<3x4096x1024xf32, #tpu.memory_space<any>> -> memref<1x1024x1024xf32, #tpu.memory_space<any>>
    %dma_wait3A_330 = tpu.memref_squeeze %dma_wait3A_329 : memref<1x1024x1024xf32, #tpu.memory_space<any>> -> memref<1024x1024xf32, #tpu.memory_space<any>>
    %dma_wait3A_331 = arith.constant 3072 : i32
    %dma_wait3A_332 = arith.constant 0 : i32
    %dma_wait3A_333 = tpu.memref_slice %arg2[%dma_wait3A_331, %dma_wait3A_332] : memref<4096x1024xf32, #tpu.memory_space<vmem>> -> memref<1024x1024xf32, #tpu.memory_space<vmem>>
    tpu.wait_dma2 semaphore(%dma_wait3A_326 : memref<!tpu.dma_semaphore, #tpu.memory_space<semaphore_mem>>) src(%dma_wait3A_333 : memref<1024x1024xf32, #tpu.memory_space<vmem>>) dst(%dma_wait3A_330 : memref<1024x1024xf32, #tpu.memory_space<any>>)
    %dma_wait3A_334 = arith.constant 1 : i32
    %dma_wait3A_335 = arith.constant 3 : i32
    %dma_wait3A_336 = arith.constant 1 : i32
    %dma_wait3A_337 = tpu.memref_slice %arg4[%dma_wait3A_335, %dma_wait3A_336] : memref<4x3x!tpu.dma_semaphore, #tpu.memory_space<semaphore_mem>> -> memref<1x1x!tpu.dma_semaphore, #tpu.memory_space<semaphore_mem>>
    %dma_wait3A_338 = tpu.memref_squeeze %dma_wait3A_337 : memref<1x1x!tpu.dma_semaphore, #tpu.memory_space<semaphore_mem>> -> memref<!tpu.dma_semaphore, #tpu.memory_space<semaphore_mem>>
    %dma_wait3A_339 = arith.constant 3072 : i32
    %dma_wait3A_340 = arith.constant 0 : i32
    %dma_wait3A_341 = tpu.memref_slice %arg1[%dma_wait3A_334, %dma_wait3A_339, %dma_wait3A_340] : memref<3x4096x1024xf32, #tpu.memory_space<any>> -> memref<1x1024x1024xf32, #tpu.memory_space<any>>
    %dma_wait3A_342 = tpu.memref_squeeze %dma_wait3A_341 : memref<1x1024x1024xf32, #tpu.memory_space<any>> -> memref<1024x1024xf32, #tpu.memory_space<any>>
    %dma_wait3A_343 = arith.constant 3072 : i32
    %dma_wait3A_344 = arith.constant 0 : i32
    %dma_wait3A_345 = tpu.memref_slice %arg2[%dma_wait3A_343, %dma_wait3A_344] : memref<4096x1024xf32, #tpu.memory_space<vmem>> -> memref<1024x1024xf32, #tpu.memory_space<vmem>>
    tpu.wait_dma2 semaphore(%dma_wait3A_338 : memref<!tpu.dma_semaphore, #tpu.memory_space<semaphore_mem>>) src(%dma_wait3A_345 : memref<1024x1024xf32, #tpu.memory_space<vmem>>) dst(%dma_wait3A_342 : memref<1024x1024xf32, #tpu.memory_space<any>>)
    %dma_wait3A_346 = arith.constant 2 : i32
    %dma_wait3A_347 = arith.constant 3 : i32
    %dma_wait3A_348 = arith.constant 2 : i32
    %dma_wait3A_349 = tpu.memref_slice %arg4[%dma_wait3A_347, %dma_wait3A_348] : memref<4x3x!tpu.dma_semaphore, #tpu.memory_space<semaphore_mem>> -> memref<1x1x!tpu.dma_semaphore, #tpu.memory_space<semaphore_mem>>
    %dma_wait3A_350 = tpu.memref_squeeze %dma_wait3A_349 : memref<1x1x!tpu.dma_semaphore, #tpu.memory_space<semaphore_mem>> -> memref<!tpu.dma_semaphore, #tpu.memory_space<semaphore_mem>>
    %dma_wait3A_351 = arith.constant 3072 : i32
    %dma_wait3A_352 = arith.constant 0 : i32
    %dma_wait3A_353 = tpu.memref_slice %arg1[%dma_wait3A_346, %dma_wait3A_351, %dma_wait3A_352] : memref<3x4096x1024xf32, #tpu.memory_space<any>> -> memref<1x1024x1024xf32, #tpu.memory_space<any>>
    %dma_wait3A_354 = tpu.memref_squeeze %dma_wait3A_353 : memref<1x1024x1024xf32, #tpu.memory_space<any>> -> memref<1024x1024xf32, #tpu.memory_space<any>>
    %dma_wait3A_355 = arith.constant 3072 : i32
    %dma_wait3A_356 = arith.constant 0 : i32
    %dma_wait3A_357 = tpu.memref_slice %arg2[%dma_wait3A_355, %dma_wait3A_356] : memref<4096x1024xf32, #tpu.memory_space<vmem>> -> memref<1024x1024xf32, #tpu.memory_space<vmem>>
    tpu.wait_dma2 semaphore(%dma_wait3A_350 : memref<!tpu.dma_semaphore, #tpu.memory_space<semaphore_mem>>) src(%dma_wait3A_357 : memref<1024x1024xf32, #tpu.memory_space<vmem>>) dst(%dma_wait3A_354 : memref<1024x1024xf32, #tpu.memory_space<any>>)
    return
  }
}

</mosaic_0001>

<sc_bundles>
// kernel: kernel.4.cloned.1.call-start
scs
__scs_entry_jumppad:
0x0: {  	(pc) =	sbr.rel $0x88, $3  }
0x1: {  	(tag) =	ssettag $0x0;
	lr =	simm.s32 $0x1  }
0x2: {  	[smem:$0x3FA0] =	sst lr;
	_ =	strace $0xD0000000  }
0x3: {  	_ = 	snop  }
0x4: {  	_ = 	snop  }
0x5: {  	_ = 	snop  }
0x6: {  	_ = 	snop  }
0x7: {  	_ = 	snop  }
__scs_overlays_trampoline_lowered:
0x8: {  	[smem:$0x3FAF] =	sst s0  }
0x9: {  	[smem:$0x3FB0] =	sst s1  }
0xa: {  	[smem:$0x3FB1] =	sst s2  }
0xb: {  	[smem:$0x3FB2] =	sst s3  }
0xc: {  	[smem:$0x3FB3] =	sst s4  }
0xd: {  	[smem:$0x3FB4] =	sst s5  }
0xe: {  	[smem:$0x3FB5] =	sst s6  }
0xf: {  	[smem:$0x3FB6] =	sst s7  }
0x10: {  	[smem:$0x3FB7] =	sst s8  }
0x11: {  	[smem:$0x3FB8] =	sst s9;
	s0 =	simm.s32 @!p0 $0x0  }
0x12: {  	s1 =	sld [smem:$0x3F9E];
	s0 =	simm.s32 @p0 $0x1  }
0x13: {  	[smem:$0x3FB9] =	sst s0;
	s0 =	simm.s32 @!p1 $0x0  }
0x14: {  	s2 =	sld [smem:$0x3F9D];
	s0 =	simm.s32 @p1 $0x1  }
0x15: {  	[smem:$0x3FBA] =	sst s0;
	s0 =	simm.s32 @!p2 $0x0  }
0x16: {  	s3 =	sld [smem:$0x3FDB];
	s0 =	simm.s32 @p2 $0x1  }
0x17: {  	s4 =	simm.s32 $0x1BF5;
	[smem:$0x3FBC] =	sst s0  }
0x18: {  	s0 =	sld [smem:$0x3F9F];
	_ =	swait.ge [sflag:s4], $0x0  }
0x19: {  	s7 =	sld [smem:$0x3FA0]  }
0x1a: {  	s8 =	sadd.s32 $0xFFFFE003, lr  }
0x1b: {  	s9 =	sadd.s32 $0xFFFFFEF7, lr;
	s5 =	simm.s32 $0xFFFFFFFF;
	p2 =	slt.u32 s8, $0xFFFFF086  }
0x1c: {  	p1 =	slt.u32 s9, $0xF7A;
	s5 =	simm.s32 @!p2 $0x0  }
0x1d: {  	s5 =	simm.s32 @p1 $0x1;
	p0 =	seq.s32 s7, s2  }
0x1e: {  	s7 =	smul.u32 @!p0 $0xF7A, s2;
	p2 =	seq.s32 @!p0 s5, $0x0  }
0x1f: {  	s9 =	smul.u32 $0xF7A, s1;
	s8 =	simm.s32 @!p0 $0x1BF5;
	p2 =	por !p2, p0  }
0x20: {  	[sflag:s8] =	ssyncset.s32 @!p0 $0xFFFFF086;
	s6 =	sadd.s32 @!p0 s3, s7;
	s7 =	simm.s32 @!p0 $0x108  }
0x21: {  	s3 =	sadd.s32 s3, s9;
	s6 =	sadd.s32 @!p0 $0x88, s6;
	s7 =	simm.s32 @p2 $0x1082  }
0x22: {  	[simem:s7], [sflag:s8] =	dma.local @!p0 [hbm:s6], $0xF7A  }
0x23: {  	s9 =	sor.u32 $0xD0000000, s2;
	s6 =	simm.s32 $0x108;
	_ =	swait.ge @!p0 [sflag:s8], $0x0  }
0x24: {  	s3 =	sadd.s32 $0x88, s3;
	s6 =	simm.s32 @!p1 $0x1082;
	[sflag:s4] =	ssyncset.s32 $0xFFFFF086  }
0x25: {  	[simem:s6], [sflag:s4] =	dma.local [hbm:s3], $0xF7A  }
0x26: {  	[smem:$0x3FA0] =	sst s1;
	(tag) =	ssettag s2;
	_ =	strace s9  }
0x27: {  	s1 =	sld [smem:$0x3FB0]  }
0x28: {  	s2 =	sld [smem:$0x3FB1]  }
0x29: {  	s4 =	sld [smem:$0x3FB3]  }
0x2a: {  	p0 =	seq.s32 s5, $0x0;
	s5 =	sld [smem:$0x3FB4]  }
0x2b: {  	s6 =	sld [smem:$0x3FB5]  }
0x2c: {  	s7 =	sld [smem:$0x3FB6]  }
0x2d: {  	s3 =	simm.s32 $0x108;
	s8 =	sld [smem:$0x3FB7]  }
0x2e: {  	s3 =	simm.s32 @!p0 $0x1082;
	s9 =	sld [smem:$0x3FB8]  }
0x2f: {  	lr =	sadd.s32 s0, s3;
	s0 =	sld [smem:$0x3FAF]  }
0x30: {  	s3 =	sld [smem:$0x3FB2]  }
0x31: {  	[smem:$0x3FBB] =	sst s10  }
0x32: {  	s10 =	sld [smem:$0x3FB9];
	_ =	sdelay $0x3  }
0x33: {  	p0 =	seq.s32 s10, $0x1;
	s10 =	sld [smem:$0x3FBB];
	_ =	sdelay $0x3  }
0x34: {  	[smem:$0x3FBB] =	sst s10  }
0x35: {  	s10 =	sld [smem:$0x3FBA];
	_ =	sdelay $0x3  }
0x36: {  	p1 =	seq.s32 s10, $0x1;
	s10 =	sld [smem:$0x3FBB];
	_ =	sdelay $0x3  }
0x37: {  	[smem:$0x3FBB] =	sst s10  }
0x38: {  	s10 =	sld [smem:$0x3FBC]  }
0x39: {  	_ = 	snop;
	(pc) =	sbr.ind lr, $3  }
0x3a: {  	_ = 	snop  }
0x3b: {  	_ = 	snop  }
0x3c: {  	p2 =	seq.s32 s10, $0x1;
	s10 =	sld [smem:$0x3FBB]  }
0x3d: {  	_ =	shalt  }
0x3e: {  	_ =	shalt  }
0x3f: {  	_ =	shalt  }
0x40: {  	_ =	shalt  }
0x41: {  	_ =	shalt  }
0x42: {  	_ =	shalt  }
0x43: {  	_ =	shalt  }
0x44: {  	_ =	shalt  }
0x45: {  	_ =	shalt  }
0x46: {  	_ =	shalt  }
0x47: {  	_ =	shalt  }
0x48: {  	_ =	shalt  }
0x49: {  	_ =	shalt  }
0x4a: {  	_ =	shalt  }
0x4b: {  	_ =	shalt  }
0x4c: {  	_ =	shalt  }
0x4d: {  	_ =	shalt  }
0x4e: {  	_ =	shalt  }
0x4f: {  	_ =	shalt  }
0x50: {  	_ =	shalt  }
0x51: {  	_ =	shalt  }
0x52: {  	_ =	shalt  }
0x53: {  	_ =	shalt  }
0x54: {  	_ =	shalt  }
0x55: {  	_ =	shalt  }
0x56: {  	_ =	shalt  }
0x57: {  	_ =	shalt  }
0x58: {  	_ =	shalt  }
0x59: {  	_ =	shalt  }
0x5a: {  	_ =	shalt  }
0x5b: {  	_ =	shalt  }
0x5c: {  	_ =	shalt  }
0x5d: {  	_ =	shalt  }
0x5e: {  	_ =	shalt  }
0x5f: {  	_ =	shalt  }
0x60: {  	_ =	shalt  }
0x61: {  	_ =	shalt  }
0x62: {  	_ =	shalt  }
0x63: {  	_ =	shalt  }
0x64: {  	_ =	shalt  }
0x65: {  	_ =	shalt  }
0x66: {  	_ =	shalt  }
0x67: {  	_ =	shalt  }
0x68: {  	_ =	shalt  }
0x69: {  	_ =	shalt  }
0x6a: {  	_ =	shalt  }
0x6b: {  	_ =	shalt  }
0x6c: {  	_ =	shalt  }
0x6d: {  	_ =	shalt  }
0x6e: {  	_ =	shalt  }
0x6f: {  	_ =	shalt  }
0x70: {  	_ =	shalt  }
0x71: {  	_ =	shalt  }
0x72: {  	_ =	shalt  }
0x73: {  	_ =	shalt  }
0x74: {  	_ =	shalt  }
0x75: {  	_ =	shalt  }
0x76: {  	_ =	shalt  }
0x77: {  	_ =	shalt  }
0x78: {  	_ =	shalt  }
0x79: {  	_ =	shalt  }
0x7a: {  	_ =	shalt  }
0x7b: {  	_ =	shalt  }
0x7c: {  	_ =	shalt  }
0x7d: {  	_ =	shalt  }
0x7e: {  	_ =	shalt  }
0x7f: {  	_ =	shalt  }
0x80: {  	_ =	shalt  }
0x81: {  	_ =	shalt  }
0x82: {  	_ =	shalt  }
0x83: {  	_ =	shalt  }
0x84: {  	_ =	shalt  }
0x85: {  	_ =	shalt  }
0x86: {  	_ =	shalt  }
0x87: {  	_ =	shalt  }
.Lfunc_end0:
.L_simem_size_0:
called_computation_lowered:
.L_overlay_start_0:
0x88: {  	s2 =	sld [smem:$0x3FD9]  }
0x89: {  	s3 =	sld [smem:$0x3FFE];
	_ =	sdelay $0x1  }
0x8a: {  	s1 =	srdreg.scid  }
0x8b: {  	s0 =	sand.u32 $0x1, s1  }
0x8c: {  	s17 =	sshll.u32 s0, $0xA;
	s2 =	sadd.s32 s3, s2  }
0x8d: {  	s2 =	sadd.s32 s2, s17  }
0x8e: {  	[smem:$0x3FC7] =	sst s2  }
0x8f: {  	_ = 	snop  }
0x90: {  	s2 =	sld [smem:$0x3FC9];
	(tm) =	ssettm $0x1  }
0x91: {  	s18 =	sld [smem:$0x3FFB];
	_ =	sdelay $0x3  }
0x92: {  	_ =	strace s18  }
0x93: {  	s3 =	sld [smem:$0x3FFC];
	_ =	sdelay $0x3  }
0x94: {  	_ =	strace s3  }
0x95: {  	s3 =	sld [smem:$0x3FFD];
	_ =	sdelay $0x3  }
0x96: {  	_ =	strace s3  }
0x97: {  	_ =	strace $0x8FFFFFFF  }
0x98: {  	s19 =	sld [smem:$0x3FDB];
	_ =	sdelay $0x1  }
0x99: {  	s4 =	simm.s32 $_scs_section_size  }
0x9a: {  	s5 =	simm.s32 $_size__tile_overlayer_lowered;
	s6 =	simm.s32 $_tile_overlayer_lowered  }
0x9b: {  	s22 =	simm.s32 $0x1BFF;
	s21 =	sshll.u32 s6, $0x1;
	s3 =	sadd.s32 s4, s19  }
0x9c: {  	s7 =	simm.s32 $0x0;
	s20 =	sshll.u32 s5, $0x1;
	s5 =	sadd.s32 s21, s3  }
0x9d: {  	[timem:s7], [sflag:s22] =	dma.local [hbm:s5], s20  }
0x9e: {  	_ =	swait.ge [sflag:s22], s20  }
0x9f: {  	s4 =	ssub.s32 $0x0, s20;
	[sflag:s22] =	ssyncset.done $0x0  }
0xa0: {  	[sflag:s22] =	ssyncadd.s32 s4;
	_ =	sdelay $0x1  }
0xa1: {  	s23 =	simm.s32 $0x1B8B  }
0xa2: {  	_ =	swait.ge [sflag:s23], $0x1  }
0xa3: {  	[sflag:s23] =	ssyncset.done $0x0  }
0xa4: {  	s25 =	simm.s32 $0x1B8E;
	s24 =	sld [smem:$0x3FFE];
	[sflag:s23] =	ssyncadd.s32 $0xFFFFFFFF  }
0xa5: {  	s26 =	simm.s32 $execute0_lowered;
	[smem:$0x3FD2] =	sst s25  }
0xa6: {  	s5 =	sshll.u32 s26, $0x1;
	_ =	strace $0x80000046;
	[dreg:$0x1] =	wrdreg $0xFFFFFFFF  }
0xa7: {  	s28 =	simm.s32 $_size_execute0_lowered;
	s3 =	sadd.s32 s3, s5;
	[dreg:$0x0] =	wrdreg $0x0  }
0xa8: {  	s5 =	sshll.u32 s28, $0x1;
	[dreg:$0x2] =	wrdreg s3  }
0xa9: {  	[dreg:$0x3] =	wrdreg s5  }
0xaa: {  	[dreg:$0x4] =	wrdreg $0xC0  }
0xab: {  	_ =	task [dreg:s7], $0x5FFFF  }
0xac: {  	[dreg:$0x1] =	wrdreg $0xFFFFFFFF  }
0xad: {  	[dreg:$0x0] =	wrdreg $0x60  }
0xae: {  	[dreg:$0x2] =	wrdreg s2  }
0xaf: {  	[dreg:$0x3] =	wrdreg s24  }
0xb0: {  	[dreg:$0x4] =	wrdreg $0x9  }
0xb1: {  	_ =	task.clear_ibuf [dreg:s7], $0x5FFFF;
	_ =	strace $0x90000046  }
0xb2: {  	s29 =	simm.s32 $0x9;
	_ =	strace $0x80000048  }
0xb3: {  	_ =	swait.ge [sflag:s29], $0x1  }
0xb4: {  	[sflag:s29] =	ssyncadd.s32 $0xFFFFFFFF  }
0xb5: {  	_ =	strace $0x90000048  }
0xb6: {  	_ =	sfence  }
0xb7: {  	s30 =	sld [smem:$0x0];
	_ =	sdelay $0x2  }
0xb8: {  	s31 =	sshll.u32 s1, $0xD;
	s1 =	sshrl.u32 s1, $0x2  }
0xb9: {  	s3 =	sand.u32 $0x4000, s31;
	s1 =	sadd.s32 s1, s30  }
0xba: {  	s0 =	sor.u32 s3, s0;
	s1 =	sshll.u32 s1, $0x11  }
0xbb: {  	s0 =	sor.u32 s1, s0  }
0xbc: {  	s0 =	sadd.s32 $0x8F2B, s0  }
0xbd: {  	[sflag:s0] =	ssyncadd.remote.s32 $0x1  }
0xbe: {  	_ =	sfence.sel $0xFFFF  }
0xbf: {  	[dreg:$0x0] =	wrdreg $0xFFFFFFFF;
	(pc) =	sbr.abs _section_cstart, $3  }
0xc0: {  	[dreg:$0x1] =	wrdreg $0xFFFFFFFF  }
0xc1: {  	_ =	task.clear_ibuf [dreg:s7], $0x2FFFF;
	_ =	strace $0x9FFFFFFF  }
0xc2: {  	(tm) =	ssettm $0x7FFFFFFF  }
0xc3: {  	_ =	shalt  }
tec
execute0_lowered:
.L_overlay_start_1:
0x0: {  	(tag) =	ssettag $0x1  }
0x1: {  	s13 =	rddreg [dreg:$0x0]  }
0x2: {  	s7 =	rddreg [dreg:$0x1];
	s2 =	srdreg.scid  }
0x3: {  	s0 =	rddreg [dreg:$0x2];
	s1 =	stileid.u32;
	s17 =	sand.u32 $0x1, s2  }
0x4: {  	s2 =	simm.s32 $0x0;
	s3 =	sshll.u32 s1, $0xF;
	s4 =	sshll.u32 s17, $0xE  }
0x5: {  	[smem:$0x7FF] =	sst s2;
	s14 =	sor.u32 s4, s3  }
0x6: {  	_ =	strace $0x80000047;
	s3 =	sadd.s32 s13, s14;
	s11 =	sor.u32 $0x1000, s14  }
0x7: {  	[tilespmem:s2], [sflag:$0x1] =	stream.linear.gather [hbm4b:s3+s2], $0x8000, $0x38;
	[tilespmem:$0x10000] =	vst v63  }
0x8: {  	s5 =	simm.s32 $0x8000;
	s6 =	simm.s32 $0x1;
	s4 =	sadd.s32 s13, s11  }
0x9: {  	[tilespmem:s5], [sflag:$0x2] =	stream.linear.gather [hbm4b:s4+s2], $0x8000, $0x38;
	[tilespmem:$0x10000] =	vst v63  }
0xa: {  	_ =	swait.ge [sflag:s6], $0x8000  }
0xb: {  	s18 =	sadd.s32 $0x600, s7;
	[sflag:s6] =	ssyncset.done $0x0  }
0xc: {  	s8 =	simm.s32 $0x5;
	s7 =	sadd.s32 s18, s14;
	[sflag:s6] =	ssyncadd.s32 $0xFFFF8000  }
0xd: {  	[hbm4b:s7+s2] =	stream.linear.scatter [tilespmem:s2], [sflag:$0x5], $0x8000, $0x38;
	[tilespmem:$0x10000] =	vst v63  }
0xe: {  	_ =	swait.ge [sflag:s8], $0x8000  }
0xf: {  	s15 =	sor.u32 $0x2000, s14;
	[sflag:s8] =	ssyncset.done $0x0  }
0x10: {  	s10 =	simm.s32 $0x2;
	s9 =	sadd.s32 s13, s15;
	[sflag:s8] =	ssyncadd.s32 $0xFFFF8000  }
0x11: {  	[tilespmem:s2], [sflag:$0x3] =	stream.linear.gather [hbm4b:s9+s2], $0x8000, $0x38;
	[tilespmem:$0x10000] =	vst v63  }
0x12: {  	_ =	swait.ge [sflag:s10], $0x8000  }
0x13: {  	[sflag:s10] =	ssyncset.done $0x0  }
0x14: {  	s12 =	simm.s32 $0x6;
	s11 =	sadd.s32 s18, s11;
	[sflag:s10] =	ssyncadd.s32 $0xFFFF8000  }
0x15: {  	[hbm4b:s11+s2] =	stream.linear.scatter [tilespmem:s5], [sflag:$0x6], $0x8000, $0x38;
	[tilespmem:$0x10000] =	vst v63  }
0x16: {  	_ =	swait.ge [sflag:s12], $0x8000  }
0x17: {  	s19 =	sor.u32 $0x3000, s14;
	[sflag:s12] =	ssyncset.done $0x0  }
0x18: {  	s14 =	simm.s32 $0x3;
	s13 =	sadd.s32 s13, s19;
	[sflag:s12] =	ssyncadd.s32 $0xFFFF8000  }
0x19: {  	[tilespmem:s5], [sflag:$0x4] =	stream.linear.gather [hbm4b:s13+s2], $0x8000, $0x38;
	[tilespmem:$0x10000] =	vst v63  }
0x1a: {  	_ =	swait.ge [sflag:s14], $0x8000  }
0x1b: {  	s16 =	simm.s32 $0x4;
	s20 =	ssub.s32 $0x2, s17;
	[sflag:s14] =	ssyncset.done $0x0  }
0x1c: {  	s31 =	sshrl.u32 s20, $0x1;
	s15 =	sadd.s32 s18, s15;
	[sflag:s14] =	ssyncadd.s32 $0xFFFF8000  }
0x1d: {  	[hbm4b:s15+s2] =	stream.linear.scatter [tilespmem:s2], [sflag:$0x7], $0x8000, $0x38;
	[tilespmem:$0x10000] =	vst v63  }
0x1e: {  	s17 =	sadd.s32 s18, s19;
	s19 =	ssub.s32 s20, s31;
	_ =	swait.ge [sflag:s16], $0x8000  }
0x1f: {  	s20 =	smax.u32 s19, $0x1;
	[sflag:s16] =	ssyncset.done $0x0  }
0x20: {  	s18 =	simm.s32 $0x7;
	p0 =	sne.s32 s20, $0x1;
	[sflag:s16] =	ssyncadd.s32 $0xFFFF8000  }
0x21: {  	[hbm4b:s17+s2] =	stream.linear.scatter [tilespmem:s5], [sflag:$0x8], $0x8000, $0x38;
	[tilespmem:$0x10000] =	vst v63  }
.Ltmp0:
0x22: {  	_ =	swait.ge [sflag:s18], $0x8000;
	(pc) =	sbr.rel @!p0 .LBB2_2-.Ltmp0, $4  }
0x23: {  	[sflag:s18] =	ssyncset.done $0x0  }
0x24: {  	s19 =	simm.s32 $0x8;
	[sflag:s18] =	ssyncadd.s32 $0xFFFF8000  }
0x25: {  	_ =	swait.ge [sflag:s19], $0x8000  }
0x26: {  	s20 =	sadd.s32 $0xFFFFFFFF, s20;
	[sflag:s19] =	ssyncset.done $0x0  }
.LBB2_1:
0x27: {  	p0 =	sne.s32 s20, $0x1;
	s20 =	sadd.s32 $0xFFFFFFFF, s20;
	[sflag:s19] =	ssyncadd.s32 $0xFFFF8000  }
0x28: {  	[tilespmem:s2], [sflag:$0x1] =	stream.linear.gather [hbm4b:s3+s2], $0x8000, $0x38;
	[tilespmem:$0x10000] =	vst v63  }
0x29: {  	_ = 	snop  }
0x2a: {  	[tilespmem:s5], [sflag:$0x2] =	stream.linear.gather [hbm4b:s4+s2], $0x8000, $0x38;
	[tilespmem:$0x10000] =	vst v63  }
0x2b: {  	_ =	swait.ge [sflag:s6], $0x8000  }
0x2c: {  	[sflag:s6] =	ssyncset.done $0x0  }
0x2d: {  	[sflag:s6] =	ssyncadd.s32 $0xFFFF8000  }
0x2e: {  	[hbm4b:s7+s2] =	stream.linear.scatter [tilespmem:s2], [sflag:$0x5], $0x8000, $0x38;
	[tilespmem:$0x10000] =	vst v63  }
0x2f: {  	_ =	swait.ge [sflag:s8], $0x8000  }
0x30: {  	[sflag:s8] =	ssyncset.done $0x0  }
0x31: {  	[sflag:s8] =	ssyncadd.s32 $0xFFFF8000  }
0x32: {  	[tilespmem:s2], [sflag:$0x3] =	stream.linear.gather [hbm4b:s9+s2], $0x8000, $0x38;
	[tilespmem:$0x10000] =	vst v63  }
0x33: {  	_ =	swait.ge [sflag:s10], $0x8000  }
0x34: {  	[sflag:s10] =	ssyncset.done $0x0  }
0x35: {  	[sflag:s10] =	ssyncadd.s32 $0xFFFF8000  }
0x36: {  	[hbm4b:s11+s2] =	stream.linear.scatter [tilespmem:s5], [sflag:$0x6], $0x8000, $0x38;
	[tilespmem:$0x10000] =	vst v63  }
0x37: {  	_ =	swait.ge [sflag:s12], $0x8000  }
0x38: {  	[sflag:s12] =	ssyncset.done $0x0  }
0x39: {  	[sflag:s12] =	ssyncadd.s32 $0xFFFF8000  }
0x3a: {  	[tilespmem:s5], [sflag:$0x4] =	stream.linear.gather [hbm4b:s13+s2], $0x8000, $0x38;
	[tilespmem:$0x10000] =	vst v63  }
0x3b: {  	_ =	swait.ge [sflag:s14], $0x8000  }
0x3c: {  	[sflag:s14] =	ssyncset.done $0x0  }
0x3d: {  	[sflag:s14] =	ssyncadd.s32 $0xFFFF8000  }
0x3e: {  	[hbm4b:s15+s2] =	stream.linear.scatter [tilespmem:s2], [sflag:$0x7], $0x8000, $0x38;
	[tilespmem:$0x10000] =	vst v63  }
0x3f: {  	_ =	swait.ge [sflag:s16], $0x8000  }
0x40: {  	[sflag:s16] =	ssyncset.done $0x0  }
0x41: {  	[sflag:s16] =	ssyncadd.s32 $0xFFFF8000  }
0x42: {  	[hbm4b:s17+s2] =	stream.linear.scatter [tilespmem:s5], [sflag:$0x8], $0x8000, $0x38;
	[tilespmem:$0x10000] =	vst v63  }
.Ltmp1:
0x43: {  	_ =	swait.ge [sflag:s18], $0x8000;
	(pc) =	sbr.rel @p0 .LBB2_1-.Ltmp1, $4  }
0x44: {  	[sflag:s18] =	ssyncset.done $0x0  }
0x45: {  	[sflag:s18] =	ssyncadd.s32 $0xFFFF8000  }
0x46: {  	_ =	swait.ge [sflag:s19], $0x8000  }
0x47: {  	[sflag:s19] =	ssyncset.done $0x0  }
.LBB2_2:
0x48: {  	[sflag:s19] =	ssyncadd.s32 $0xFFFF8000  }
0x49: {  	_ =	sfence.sel $0x180000  }
0x4a: {  	[bflag:$0x0] =	sbarrier.arrive $0xFFFF  }
0x4b: {  	p0 =	sne.s32 s1, $0x0;
	_ =	strace $0x90000047  }
0x4c: {  	s0 =	sadd.s32 @!p0 $0x100000, s0;
	[bflag:$0x2] =	sbarrier.arrive $0xFFFF  }
0x4d: {  	[sflag:s0] =	ssyncadd.tile.s32 @!p0 $0x1;
	_ =	shalt  }
.Lfunc_end2:
_tile_overlayer_lowered:
.L_overlay_start_2:
0x4e: {  	(tag) =	ssettag $0x2  }
0x4f: {  	s0 =	rddreg [dreg:$0x0];
	s2 =	stileid.u32  }
0x50: {  	s1 =	rddreg [dreg:$0x1];
	p0 =	sne.s32 s2, $0x0  }
0x51: {  	s3 =	rddreg [dreg:$0x2];
	[bflag:$0x3] =	sbarrier.arrive $0xFFFF;
	s2 =	simm.s32 @!p0 $0x1C09  }
0x52: {  	[timem:s3], [sflag:s2] =	dma.local @!p0 [hbm:s0], s1  }
0x53: {  	s0 =	simm.s32 @!p0 $0x9  }
0x54: {  	_ =	swait.ge @!p0 [sflag:s0], s1  }
0x55: {  	s1 =	ssub.s32 @!p0 $0x0, s1;
	[sflag:s0] =	ssyncset.done @!p0 $0x0  }
0x56: {  	[sflag:s0] =	ssyncadd.s32 @!p0 s1  }
0x57: {  	[bflag:$0x3] =	sbarrier.arrive $0xFFFF  }
0x58: {  	_ =	shalt  }

</sc_bundles>
